<compile_context>
chip_gen: v7x
topology: tpu7x:2x2x1
jax: 0.10.2.dev20260603
libtpu: 0.0.44.dev20260713+nightly
codegen_flags: <defaults>
</compile_context>

<pallas_src>
import functools

import jax
import jax.numpy as jnp
from jax import lax
from jax.experimental import pallas as pl
from jax.experimental.pallas import tpu as pltpu
from jax.experimental.pallas import tpu_sc as plsc


_NC, _NS = 2, 16
_CHUNK = 32
_NBUF = 3
_BS = 2048


def _sc_pe_broadcast(pos_embed, b, s, d, dtype):
    nw = _NC * _NS
    rows = s // nw
    n = _CHUNK
    mesh = plsc.VectorSubcoreMesh(core_axis_name="c", subcore_axis_name="s")

    @functools.partial(
        pl.kernel,
        mesh=mesh,
        out_type=jax.ShapeDtypeStruct((b, s, 2 * d), dtype),
        scratch_types=(
            [pltpu.VMEM((n, d), jnp.float32)] * _NBUF
            + [pltpu.SemaphoreType.DMA] * (2 * _NBUF)
        ),
    )
    def k(pe_hbm, out_hbm, *scratch):
        bufs = scratch[:_NBUF]
        sin = scratch[_NBUF : 2 * _NBUF]
        sout = scratch[2 * _NBUF :]
        wid = lax.axis_index("s") * _NC + lax.axis_index("c")
        s0 = wid * rows

        t = rows // n
        gat = [None] * _NBUF
        pend = [[] for _ in range(_NBUF)]

        def issue_gather(i):
            slot = i % _NBUF
            for h in pend[slot]:
                h.wait()
            pend[slot] = []
            gat[slot] = pltpu.async_copy(
                pe_hbm.at[pl.ds(s0 + i * n, n), :], bufs[slot], sin[slot]
            )

        issue_gather(0)
        if t > 1:
            issue_gather(1)
        for i in range(t):
            slot = i % _NBUF
            gat[slot].wait()
            pend[slot] = [
                pltpu.async_copy(
                    bufs[slot],
                    out_hbm.at[bi, pl.ds(s0 + i * n, n), pl.ds(d, d)],
                    sout[slot],
                )
                for bi in range(b)
            ]
            if i + 2 < t:
                issue_gather(i + 2)
        for slot in range(_NBUF):
            for h in pend[slot]:
                h.wait()

    return k(pos_embed)


def _tc_body(x_ref, out_pe_ref, out_ref):
    del out_pe_ref
    out_ref[...] = x_ref[...]


def kernel(x, pos_embed):
    b, s, d = x.shape
    out_pe = _sc_pe_broadcast(pos_embed, b, s, d, x.dtype)
    return pl.pallas_call(
        _tc_body,
        grid=(b, s // _BS),
        in_specs=[
            pl.BlockSpec((1, _BS, d), lambda j, i: (j, i, 0)),
            pl.BlockSpec(memory_space=pl.ANY),
        ],
        out_specs=pl.BlockSpec((1, _BS, d), lambda j, i: (j, i, 0)),
        out_shape=jax.ShapeDtypeStruct((b, s, 2 * d), x.dtype),
        input_output_aliases={1: 0},
    )(x, out_pe)

# --- scband reference (transcript-rebuilt; emitter-appended) ---
"""Pipeline reference for scband-position-embedding-train-54477365183134 (READ-ONLY COPY).

The authoritative reference and input builder live on the scoring server;
editing this copy changes nothing except your own understanding.
"""

import jax, jax.numpy as jnp
import numpy as np

MAX_POSITION = 8192
DIM = 1024
B, S, D = 4, 8192, 1024


def setup_inputs(seed: int = 0) -> dict:
    key = jax.random.key(seed)
    k1, k2 = jax.random.split(key)
    x = jax.random.normal(k1, (B, S, D), dtype=jnp.float32)
    pos_embed = jax.random.normal(k2, (MAX_POSITION, DIM), dtype=jnp.float32) * 0.02
    return {"x": x, "pos_embed": pos_embed}


def reference(x, pos_embed):
    b, s = x.shape[0], x.shape[1]
    positions = jnp.arange(s, dtype=jnp.int32)
    positions = jnp.broadcast_to(positions[None, :], (b, s))
    pe = jnp.take(pos_embed, positions, axis=0)  # [b, s, DIM]
    return jnp.concatenate((x, pe), axis=2)

if __name__ == "__main__":
    import jax
    _d = setup_inputs()
    print(jax.jit(kernel)(*tuple(_d.values())))

</pallas_src>

<mosaic_0001>
#map = affine_map<(d0, d1) -> (0, 0)>
#map1 = affine_map<(d0, d1) -> (0, 0, 0)>
module attributes {stable_mosaic.version = 14 : i64} {
  func.func @k(%arg0: i32, %arg1: i32, %arg2: memref<8192x1024xf32, #tpu.memory_space<hbm>>, %arg3: memref<4x8192x2048xf32, #tpu.memory_space<hbm>>, %arg4: memref<32x1024xf32, #tpu.memory_space<vmem>>, %arg5: memref<32x1024xf32, #tpu.memory_space<vmem>>, %arg6: memref<32x1024xf32, #tpu.memory_space<vmem>>, %arg7: memref<!tpu.dma_semaphore, #tpu.memory_space<semaphore_mem>>, %arg8: memref<!tpu.dma_semaphore, #tpu.memory_space<semaphore_mem>>, %arg9: memref<!tpu.dma_semaphore, #tpu.memory_space<semaphore_mem>>, %arg10: memref<!tpu.dma_semaphore, #tpu.memory_space<semaphore_mem>>, %arg11: memref<!tpu.dma_semaphore, #tpu.memory_space<semaphore_mem>>, %arg12: memref<!tpu.dma_semaphore, #tpu.memory_space<semaphore_mem>>) attributes {dimension_semantics = [#tpu.dimension_semantics<core_parallel>, #tpu.dimension_semantics<subcore_parallel>], iteration_bounds = array<i64: 2, 16>, scalar_prefetch = 0 : i64, scratch_operands = 9 : i64, tpu.core_type = #tpu.core_type<sc_vector_subcore>, window_params = [{transform_indices = #map}, {transform_indices = #map1}]} {
    %mul3A = arith.constant 2 : i32
    %mul3A_0 = arith.muli %arg1, %mul3A : i32
    %add3A = arith.addi %mul3A_0, %arg0 : i32
    %mul3A_1 = arith.constant 256 : i32
    %mul3A_2 = arith.muli %add3A, %mul3A_1 : i32
    %add3A_3 = arith.constant 0 : i32
    %add3A_4 = arith.addi %mul3A_2, %add3A_3 : i32
    %dma_start3A = arith.constant 0 : i32
    %dma_start3A_5 = tpu.memref_slice %arg2[%add3A_4, %dma_start3A] : memref<8192x1024xf32, #tpu.memory_space<hbm>> -> memref<32x1024xf32, #tpu.memory_space<hbm>>
    %dma_start3A_6 = arith.constant 0 : i32
    %dma_start3A_7 = tpu.memref_slice %arg2[%add3A_4, %dma_start3A_6] : memref<8192x1024xf32, #tpu.memory_space<hbm>> -> memref<32x1024xf32, #tpu.memory_space<hbm>>
    tpu.enqueue_dma source(%dma_start3A_7 : memref<32x1024xf32, #tpu.memory_space<hbm>>) target(%arg4 : memref<32x1024xf32, #tpu.memory_space<vmem>>) target_semaphore(%arg7 : memref<!tpu.dma_semaphore, #tpu.memory_space<semaphore_mem>>)
    %add3A_8 = arith.constant 32 : i32
    %add3A_9 = arith.addi %mul3A_2, %add3A_8 : i32
    %dma_start3A_10 = arith.constant 0 : i32
    %dma_start3A_11 = tpu.memref_slice %arg2[%add3A_9, %dma_start3A_10] : memref<8192x1024xf32, #tpu.memory_space<hbm>> -> memref<32x1024xf32, #tpu.memory_space<hbm>>
    %dma_start3A_12 = arith.constant 0 : i32
    %dma_start3A_13 = tpu.memref_slice %arg2[%add3A_9, %dma_start3A_12] : memref<8192x1024xf32, #tpu.memory_space<hbm>> -> memref<32x1024xf32, #tpu.memory_space<hbm>>
    tpu.enqueue_dma source(%dma_start3A_13 : memref<32x1024xf32, #tpu.memory_space<hbm>>) target(%arg5 : memref<32x1024xf32, #tpu.memory_space<vmem>>) target_semaphore(%arg8 : memref<!tpu.dma_semaphore, #tpu.memory_space<semaphore_mem>>)
    %dma_wait3A = arith.constant 0 : i32
    %dma_wait3A_14 = tpu.memref_slice %arg2[%add3A_4, %dma_wait3A] : memref<8192x1024xf32, #tpu.memory_space<hbm>> -> memref<32x1024xf32, #tpu.memory_space<hbm>>
    %dma_wait3A_15 = arith.constant 0 : i32
    %dma_wait3A_16 = tpu.memref_slice %arg2[%add3A_4, %dma_wait3A_15] : memref<8192x1024xf32, #tpu.memory_space<hbm>> -> memref<32x1024xf32, #tpu.memory_space<hbm>>
    tpu.wait_dma2 semaphore(%arg7 : memref<!tpu.dma_semaphore, #tpu.memory_space<semaphore_mem>>) src(%dma_wait3A_16 : memref<32x1024xf32, #tpu.memory_space<hbm>>) dst(%arg4 : memref<32x1024xf32, #tpu.memory_space<vmem>>)
    %add3A_17 = arith.constant 0 : i32
    %add3A_18 = arith.addi %mul3A_2, %add3A_17 : i32
    %dma_start3A_19 = arith.constant 0 : i32
    %dma_start3A_20 = arith.constant 1024 : i32
    %dma_start3A_21 = tpu.memref_slice %arg3[%dma_start3A_19, %add3A_18, %dma_start3A_20] : memref<4x8192x2048xf32, #tpu.memory_space<hbm>> -> memref<1x32x1024xf32, #tpu.memory_space<hbm>>
    %dma_start3A_22 = tpu.memref_squeeze %dma_start3A_21 : memref<1x32x1024xf32, #tpu.memory_space<hbm>> -> memref<32x1024xf32, #tpu.memory_space<hbm>>
    %dma_start3A_23 = arith.constant 1024 : i32
    %dma_start3A_24 = tpu.memref_slice %arg3[%dma_start3A_19, %add3A_18, %dma_start3A_23] : memref<4x8192x2048xf32, #tpu.memory_space<hbm>> -> memref<1x32x1024xf32, #tpu.memory_space<hbm>>
    %dma_start3A_25 = tpu.memref_squeeze %dma_start3A_24 : memref<1x32x1024xf32, #tpu.memory_space<hbm>> -> memref<32x1024xf32, #tpu.memory_space<hbm>>
    tpu.enqueue_dma source(%arg4 : memref<32x1024xf32, #tpu.memory_space<vmem>>) target(%dma_start3A_25 : memref<32x1024xf32, #tpu.memory_space<hbm>>) target_semaphore(%arg10 : memref<!tpu.dma_semaphore, #tpu.memory_space<semaphore_mem>>)
    %add3A_26 = arith.constant 0 : i32
    %add3A_27 = arith.addi %mul3A_2, %add3A_26 : i32
    %dma_start3A_28 = arith.constant 1 : i32
    %dma_start3A_29 = arith.constant 1024 : i32
    %dma_start3A_30 = tpu.memref_slice %arg3[%dma_start3A_28, %add3A_27, %dma_start3A_29] : memref<4x8192x2048xf32, #tpu.memory_space<hbm>> -> memref<1x32x1024xf32, #tpu.memory_space<hbm>>
    %dma_start3A_31 = tpu.memref_squeeze %dma_start3A_30 : memref<1x32x1024xf32, #tpu.memory_space<hbm>> -> memref<32x1024xf32, #tpu.memory_space<hbm>>
    %dma_start3A_32 = arith.constant 1024 : i32
    %dma_start3A_33 = tpu.memref_slice %arg3[%dma_start3A_28, %add3A_27, %dma_start3A_32] : memref<4x8192x2048xf32, #tpu.memory_space<hbm>> -> memref<1x32x1024xf32, #tpu.memory_space<hbm>>
    %dma_start3A_34 = tpu.memref_squeeze %dma_start3A_33 : memref<1x32x1024xf32, #tpu.memory_space<hbm>> -> memref<32x1024xf32, #tpu.memory_space<hbm>>
    tpu.enqueue_dma source(%arg4 : memref<32x1024xf32, #tpu.memory_space<vmem>>) target(%dma_start3A_34 : memref<32x1024xf32, #tpu.memory_space<hbm>>) target_semaphore(%arg10 : memref<!tpu.dma_semaphore, #tpu.memory_space<semaphore_mem>>)
    %add3A_35 = arith.constant 0 : i32
    %add3A_36 = arith.addi %mul3A_2, %add3A_35 : i32
    %dma_start3A_37 = arith.constant 2 : i32
    %dma_start3A_38 = arith.constant 1024 : i32
    %dma_start3A_39 = tpu.memref_slice %arg3[%dma_start3A_37, %add3A_36, %dma_start3A_38] : memref<4x8192x2048xf32, #tpu.memory_space<hbm>> -> memref<1x32x1024xf32, #tpu.memory_space<hbm>>
    %dma_start3A_40 = tpu.memref_squeeze %dma_start3A_39 : memref<1x32x1024xf32, #tpu.memory_space<hbm>> -> memref<32x1024xf32, #tpu.memory_space<hbm>>
    %dma_start3A_41 = arith.constant 1024 : i32
    %dma_start3A_42 = tpu.memref_slice %arg3[%dma_start3A_37, %add3A_36, %dma_start3A_41] : memref<4x8192x2048xf32, #tpu.memory_space<hbm>> -> memref<1x32x1024xf32, #tpu.memory_space<hbm>>
    %dma_start3A_43 = tpu.memref_squeeze %dma_start3A_42 : memref<1x32x1024xf32, #tpu.memory_space<hbm>> -> memref<32x1024xf32, #tpu.memory_space<hbm>>
    tpu.enqueue_dma source(%arg4 : memref<32x1024xf32, #tpu.memory_space<vmem>>) target(%dma_start3A_43 : memref<32x1024xf32, #tpu.memory_space<hbm>>) target_semaphore(%arg10 : memref<!tpu.dma_semaphore, #tpu.memory_space<semaphore_mem>>)
    %add3A_44 = arith.constant 0 : i32
    %add3A_45 = arith.addi %mul3A_2, %add3A_44 : i32
    %dma_start3A_46 = arith.constant 3 : i32
    %dma_start3A_47 = arith.constant 1024 : i32
    %dma_start3A_48 = tpu.memref_slice %arg3[%dma_start3A_46, %add3A_45, %dma_start3A_47] : memref<4x8192x2048xf32, #tpu.memory_space<hbm>> -> memref<1x32x1024xf32, #tpu.memory_space<hbm>>
    %dma_start3A_49 = tpu.memref_squeeze %dma_start3A_48 : memref<1x32x1024xf32, #tpu.memory_space<hbm>> -> memref<32x1024xf32, #tpu.memory_space<hbm>>
    %dma_start3A_50 = arith.constant 1024 : i32
    %dma_start3A_51 = tpu.memref_slice %arg3[%dma_start3A_46, %add3A_45, %dma_start3A_50] : memref<4x8192x2048xf32, #tpu.memory_space<hbm>> -> memref<1x32x1024xf32, #tpu.memory_space<hbm>>
    %dma_start3A_52 = tpu.memref_squeeze %dma_start3A_51 : memref<1x32x1024xf32, #tpu.memory_space<hbm>> -> memref<32x1024xf32, #tpu.memory_space<hbm>>
    tpu.enqueue_dma source(%arg4 : memref<32x1024xf32, #tpu.memory_space<vmem>>) target(%dma_start3A_52 : memref<32x1024xf32, #tpu.memory_space<hbm>>) target_semaphore(%arg10 : memref<!tpu.dma_semaphore, #tpu.memory_space<semaphore_mem>>)
    %add3A_53 = arith.constant 64 : i32
    %add3A_54 = arith.addi %mul3A_2, %add3A_53 : i32
    %dma_start3A_55 = arith.constant 0 : i32
    %dma_start3A_56 = tpu.memref_slice %arg2[%add3A_54, %dma_start3A_55] : memref<8192x1024xf32, #tpu.memory_space<hbm>> -> memref<32x1024xf32, #tpu.memory_space<hbm>>
    %dma_start3A_57 = arith.constant 0 : i32
    %dma_start3A_58 = tpu.memref_slice %arg2[%add3A_54, %dma_start3A_57] : memref<8192x1024xf32, #tpu.memory_space<hbm>> -> memref<32x1024xf32, #tpu.memory_space<hbm>>
    tpu.enqueue_dma source(%dma_start3A_58 : memref<32x1024xf32, #tpu.memory_space<hbm>>) target(%arg6 : memref<32x1024xf32, #tpu.memory_space<vmem>>) target_semaphore(%arg9 : memref<!tpu.dma_semaphore, #tpu.memory_space<semaphore_mem>>)
    %dma_wait3A_59 = arith.constant 0 : i32
    %dma_wait3A_60 = tpu.memref_slice %arg2[%add3A_9, %dma_wait3A_59] : memref<8192x1024xf32, #tpu.memory_space<hbm>> -> memref<32x1024xf32, #tpu.memory_space<hbm>>
    %dma_wait3A_61 = arith.constant 0 : i32
    %dma_wait3A_62 = tpu.memref_slice %arg2[%add3A_9, %dma_wait3A_61] : memref<8192x1024xf32, #tpu.memory_space<hbm>> -> memref<32x1024xf32, #tpu.memory_space<hbm>>
    tpu.wait_dma2 semaphore(%arg8 : memref<!tpu.dma_semaphore, #tpu.memory_space<semaphore_mem>>) src(%dma_wait3A_62 : memref<32x1024xf32, #tpu.memory_space<hbm>>) dst(%arg5 : memref<32x1024xf32, #tpu.memory_space<vmem>>)
    %add3A_63 = arith.constant 32 : i32
    %add3A_64 = arith.addi %mul3A_2, %add3A_63 : i32
    %dma_start3A_65 = arith.constant 0 : i32
    %dma_start3A_66 = arith.constant 1024 : i32
    %dma_start3A_67 = tpu.memref_slice %arg3[%dma_start3A_65, %add3A_64, %dma_start3A_66] : memref<4x8192x2048xf32, #tpu.memory_space<hbm>> -> memref<1x32x1024xf32, #tpu.memory_space<hbm>>
    %dma_start3A_68 = tpu.memref_squeeze %dma_start3A_67 : memref<1x32x1024xf32, #tpu.memory_space<hbm>> -> memref<32x1024xf32, #tpu.memory_space<hbm>>
    %dma_start3A_69 = arith.constant 1024 : i32
    %dma_start3A_70 = tpu.memref_slice %arg3[%dma_start3A_65, %add3A_64, %dma_start3A_69] : memref<4x8192x2048xf32, #tpu.memory_space<hbm>> -> memref<1x32x1024xf32, #tpu.memory_space<hbm>>
    %dma_start3A_71 = tpu.memref_squeeze %dma_start3A_70 : memref<1x32x1024xf32, #tpu.memory_space<hbm>> -> memref<32x1024xf32, #tpu.memory_space<hbm>>
    tpu.enqueue_dma source(%arg5 : memref<32x1024xf32, #tpu.memory_space<vmem>>) target(%dma_start3A_71 : memref<32x1024xf32, #tpu.memory_space<hbm>>) target_semaphore(%arg11 : memref<!tpu.dma_semaphore, #tpu.memory_space<semaphore_mem>>)
    %add3A_72 = arith.constant 32 : i32
    %add3A_73 = arith.addi %mul3A_2, %add3A_72 : i32
    %dma_start3A_74 = arith.constant 1 : i32
    %dma_start3A_75 = arith.constant 1024 : i32
    %dma_start3A_76 = tpu.memref_slice %arg3[%dma_start3A_74, %add3A_73, %dma_start3A_75] : memref<4x8192x2048xf32, #tpu.memory_space<hbm>> -> memref<1x32x1024xf32, #tpu.memory_space<hbm>>
    %dma_start3A_77 = tpu.memref_squeeze %dma_start3A_76 : memref<1x32x1024xf32, #tpu.memory_space<hbm>> -> memref<32x1024xf32, #tpu.memory_space<hbm>>
    %dma_start3A_78 = arith.constant 1024 : i32
    %dma_start3A_79 = tpu.memref_slice %arg3[%dma_start3A_74, %add3A_73, %dma_start3A_78] : memref<4x8192x2048xf32, #tpu.memory_space<hbm>> -> memref<1x32x1024xf32, #tpu.memory_space<hbm>>
    %dma_start3A_80 = tpu.memref_squeeze %dma_start3A_79 : memref<1x32x1024xf32, #tpu.memory_space<hbm>> -> memref<32x1024xf32, #tpu.memory_space<hbm>>
    tpu.enqueue_dma source(%arg5 : memref<32x1024xf32, #tpu.memory_space<vmem>>) target(%dma_start3A_80 : memref<32x1024xf32, #tpu.memory_space<hbm>>) target_semaphore(%arg11 : memref<!tpu.dma_semaphore, #tpu.memory_space<semaphore_mem>>)
    %add3A_81 = arith.constant 32 : i32
    %add3A_82 = arith.addi %mul3A_2, %add3A_81 : i32
    %dma_start3A_83 = arith.constant 2 : i32
    %dma_start3A_84 = arith.constant 1024 : i32
    %dma_start3A_85 = tpu.memref_slice %arg3[%dma_start3A_83, %add3A_82, %dma_start3A_84] : memref<4x8192x2048xf32, #tpu.memory_space<hbm>> -> memref<1x32x1024xf32, #tpu.memory_space<hbm>>
    %dma_start3A_86 = tpu.memref_squeeze %dma_start3A_85 : memref<1x32x1024xf32, #tpu.memory_space<hbm>> -> memref<32x1024xf32, #tpu.memory_space<hbm>>
    %dma_start3A_87 = arith.constant 1024 : i32
    %dma_start3A_88 = tpu.memref_slice %arg3[%dma_start3A_83, %add3A_82, %dma_start3A_87] : memref<4x8192x2048xf32, #tpu.memory_space<hbm>> -> memref<1x32x1024xf32, #tpu.memory_space<hbm>>
    %dma_start3A_89 = tpu.memref_squeeze %dma_start3A_88 : memref<1x32x1024xf32, #tpu.memory_space<hbm>> -> memref<32x1024xf32, #tpu.memory_space<hbm>>
    tpu.enqueue_dma source(%arg5 : memref<32x1024xf32, #tpu.memory_space<vmem>>) target(%dma_start3A_89 : memref<32x1024xf32, #tpu.memory_space<hbm>>) target_semaphore(%arg11 : memref<!tpu.dma_semaphore, #tpu.memory_space<semaphore_mem>>)
    %add3A_90 = arith.constant 32 : i32
    %add3A_91 = arith.addi %mul3A_2, %add3A_90 : i32
    %dma_start3A_92 = arith.constant 3 : i32
    %dma_start3A_93 = arith.constant 1024 : i32
    %dma_start3A_94 = tpu.memref_slice %arg3[%dma_start3A_92, %add3A_91, %dma_start3A_93] : memref<4x8192x2048xf32, #tpu.memory_space<hbm>> -> memref<1x32x1024xf32, #tpu.memory_space<hbm>>
    %dma_start3A_95 = tpu.memref_squeeze %dma_start3A_94 : memref<1x32x1024xf32, #tpu.memory_space<hbm>> -> memref<32x1024xf32, #tpu.memory_space<hbm>>
    %dma_start3A_96 = arith.constant 1024 : i32
    %dma_start3A_97 = tpu.memref_slice %arg3[%dma_start3A_92, %add3A_91, %dma_start3A_96] : memref<4x8192x2048xf32, #tpu.memory_space<hbm>> -> memref<1x32x1024xf32, #tpu.memory_space<hbm>>
    %dma_start3A_98 = tpu.memref_squeeze %dma_start3A_97 : memref<1x32x1024xf32, #tpu.memory_space<hbm>> -> memref<32x1024xf32, #tpu.memory_space<hbm>>
    tpu.enqueue_dma source(%arg5 : memref<32x1024xf32, #tpu.memory_space<vmem>>) target(%dma_start3A_98 : memref<32x1024xf32, #tpu.memory_space<hbm>>) target_semaphore(%arg11 : memref<!tpu.dma_semaphore, #tpu.memory_space<semaphore_mem>>)
    %dma_wait3A_99 = arith.constant 0 : i32
    %dma_wait3A_100 = arith.constant 1024 : i32
    %dma_wait3A_101 = tpu.memref_slice %arg3[%dma_wait3A_99, %add3A_18, %dma_wait3A_100] : memref<4x8192x2048xf32, #tpu.memory_space<hbm>> -> memref<1x32x1024xf32, #tpu.memory_space<hbm>>
    %dma_wait3A_102 = tpu.memref_squeeze %dma_wait3A_101 : memref<1x32x1024xf32, #tpu.memory_space<hbm>> -> memref<32x1024xf32, #tpu.memory_space<hbm>>
    %dma_wait3A_103 = arith.constant 1024 : i32
    %dma_wait3A_104 = tpu.memref_slice %arg3[%dma_wait3A_99, %add3A_18, %dma_wait3A_103] : memref<4x8192x2048xf32, #tpu.memory_space<hbm>> -> memref<1x32x1024xf32, #tpu.memory_space<hbm>>
    %dma_wait3A_105 = tpu.memref_squeeze %dma_wait3A_104 : memref<1x32x1024xf32, #tpu.memory_space<hbm>> -> memref<32x1024xf32, #tpu.memory_space<hbm>>
    tpu.wait_dma2 semaphore(%arg10 : memref<!tpu.dma_semaphore, #tpu.memory_space<semaphore_mem>>) src(%arg4 : memref<32x1024xf32, #tpu.memory_space<vmem>>) dst(%dma_wait3A_105 : memref<32x1024xf32, #tpu.memory_space<hbm>>)
    %dma_wait3A_106 = arith.constant 1 : i32
    %dma_wait3A_107 = arith.constant 1024 : i32
    %dma_wait3A_108 = tpu.memref_slice %arg3[%dma_wait3A_106, %add3A_27, %dma_wait3A_107] : memref<4x8192x2048xf32, #tpu.memory_space<hbm>> -> memref<1x32x1024xf32, #tpu.memory_space<hbm>>
    %dma_wait3A_109 = tpu.memref_squeeze %dma_wait3A_108 : memref<1x32x1024xf32, #tpu.memory_space<hbm>> -> memref<32x1024xf32, #tpu.memory_space<hbm>>
    %dma_wait3A_110 = arith.constant 1024 : i32
    %dma_wait3A_111 = tpu.memref_slice %arg3[%dma_wait3A_106, %add3A_27, %dma_wait3A_110] : memref<4x8192x2048xf32, #tpu.memory_space<hbm>> -> memref<1x32x1024xf32, #tpu.memory_space<hbm>>
    %dma_wait3A_112 = tpu.memref_squeeze %dma_wait3A_111 : memref<1x32x1024xf32, #tpu.memory_space<hbm>> -> memref<32x1024xf32, #tpu.memory_space<hbm>>
    tpu.wait_dma2 semaphore(%arg10 : memref<!tpu.dma_semaphore, #tpu.memory_space<semaphore_mem>>) src(%arg4 : memref<32x1024xf32, #tpu.memory_space<vmem>>) dst(%dma_wait3A_112 : memref<32x1024xf32, #tpu.memory_space<hbm>>)
    %dma_wait3A_113 = arith.constant 2 : i32
    %dma_wait3A_114 = arith.constant 1024 : i32
    %dma_wait3A_115 = tpu.memref_slice %arg3[%dma_wait3A_113, %add3A_36, %dma_wait3A_114] : memref<4x8192x2048xf32, #tpu.memory_space<hbm>> -> memref<1x32x1024xf32, #tpu.memory_space<hbm>>
    %dma_wait3A_116 = tpu.memref_squeeze %dma_wait3A_115 : memref<1x32x1024xf32, #tpu.memory_space<hbm>> -> memref<32x1024xf32, #tpu.memory_space<hbm>>
    %dma_wait3A_117 = arith.constant 1024 : i32
    %dma_wait3A_118 = tpu.memref_slice %arg3[%dma_wait3A_113, %add3A_36, %dma_wait3A_117] : memref<4x8192x2048xf32, #tpu.memory_space<hbm>> -> memref<1x32x1024xf32, #tpu.memory_space<hbm>>
    %dma_wait3A_119 = tpu.memref_squeeze %dma_wait3A_118 : memref<1x32x1024xf32, #tpu.memory_space<hbm>> -> memref<32x1024xf32, #tpu.memory_space<hbm>>
    tpu.wait_dma2 semaphore(%arg10 : memref<!tpu.dma_semaphore, #tpu.memory_space<semaphore_mem>>) src(%arg4 : memref<32x1024xf32, #tpu.memory_space<vmem>>) dst(%dma_wait3A_119 : memref<32x1024xf32, #tpu.memory_space<hbm>>)
    %dma_wait3A_120 = arith.constant 3 : i32
    %dma_wait3A_121 = arith.constant 1024 : i32
    %dma_wait3A_122 = tpu.memref_slice %arg3[%dma_wait3A_120, %add3A_45, %dma_wait3A_121] : memref<4x8192x2048xf32, #tpu.memory_space<hbm>> -> memref<1x32x1024xf32, #tpu.memory_space<hbm>>
    %dma_wait3A_123 = tpu.memref_squeeze %dma_wait3A_122 : memref<1x32x1024xf32, #tpu.memory_space<hbm>> -> memref<32x1024xf32, #tpu.memory_space<hbm>>
    %dma_wait3A_124 = arith.constant 1024 : i32
    %dma_wait3A_125 = tpu.memref_slice %arg3[%dma_wait3A_120, %add3A_45, %dma_wait3A_124] : memref<4x8192x2048xf32, #tpu.memory_space<hbm>> -> memref<1x32x1024xf32, #tpu.memory_space<hbm>>
    %dma_wait3A_126 = tpu.memref_squeeze %dma_wait3A_125 : memref<1x32x1024xf32, #tpu.memory_space<hbm>> -> memref<32x1024xf32, #tpu.memory_space<hbm>>
    tpu.wait_dma2 semaphore(%arg10 : memref<!tpu.dma_semaphore, #tpu.memory_space<semaphore_mem>>) src(%arg4 : memref<32x1024xf32, #tpu.memory_space<vmem>>) dst(%dma_wait3A_126 : memref<32x1024xf32, #tpu.memory_space<hbm>>)
    %add3A_127 = arith.constant 96 : i32
    %add3A_128 = arith.addi %mul3A_2, %add3A_127 : i32
    %dma_start3A_129 = arith.constant 0 : i32
    %dma_start3A_130 = tpu.memref_slice %arg2[%add3A_128, %dma_start3A_129] : memref<8192x1024xf32, #tpu.memory_space<hbm>> -> memref<32x1024xf32, #tpu.memory_space<hbm>>
    %dma_start3A_131 = arith.constant 0 : i32
    %dma_start3A_132 = tpu.memref_slice %arg2[%add3A_128, %dma_start3A_131] : memref<8192x1024xf32, #tpu.memory_space<hbm>> -> memref<32x1024xf32, #tpu.memory_space<hbm>>
    tpu.enqueue_dma source(%dma_start3A_132 : memref<32x1024xf32, #tpu.memory_space<hbm>>) target(%arg4 : memref<32x1024xf32, #tpu.memory_space<vmem>>) target_semaphore(%arg7 : memref<!tpu.dma_semaphore, #tpu.memory_space<semaphore_mem>>)
    %dma_wait3A_133 = arith.constant 0 : i32
    %dma_wait3A_134 = tpu.memref_slice %arg2[%add3A_54, %dma_wait3A_133] : memref<8192x1024xf32, #tpu.memory_space<hbm>> -> memref<32x1024xf32, #tpu.memory_space<hbm>>
    %dma_wait3A_135 = arith.constant 0 : i32
    %dma_wait3A_136 = tpu.memref_slice %arg2[%add3A_54, %dma_wait3A_135] : memref<8192x1024xf32, #tpu.memory_space<hbm>> -> memref<32x1024xf32, #tpu.memory_space<hbm>>
    tpu.wait_dma2 semaphore(%arg9 : memref<!tpu.dma_semaphore, #tpu.memory_space<semaphore_mem>>) src(%dma_wait3A_136 : memref<32x1024xf32, #tpu.memory_space<hbm>>) dst(%arg6 : memref<32x1024xf32, #tpu.memory_space<vmem>>)
    %add3A_137 = arith.constant 64 : i32
    %add3A_138 = arith.addi %mul3A_2, %add3A_137 : i32
    %dma_start3A_139 = arith.constant 0 : i32
    %dma_start3A_140 = arith.constant 1024 : i32
    %dma_start3A_141 = tpu.memref_slice %arg3[%dma_start3A_139, %add3A_138, %dma_start3A_140] : memref<4x8192x2048xf32, #tpu.memory_space<hbm>> -> memref<1x32x1024xf32, #tpu.memory_space<hbm>>
    %dma_start3A_142 = tpu.memref_squeeze %dma_start3A_141 : memref<1x32x1024xf32, #tpu.memory_space<hbm>> -> memref<32x1024xf32, #tpu.memory_space<hbm>>
    %dma_start3A_143 = arith.constant 1024 : i32
    %dma_start3A_144 = tpu.memref_slice %arg3[%dma_start3A_139, %add3A_138, %dma_start3A_143] : memref<4x8192x2048xf32, #tpu.memory_space<hbm>> -> memref<1x32x1024xf32, #tpu.memory_space<hbm>>
    %dma_start3A_145 = tpu.memref_squeeze %dma_start3A_144 : memref<1x32x1024xf32, #tpu.memory_space<hbm>> -> memref<32x1024xf32, #tpu.memory_space<hbm>>
    tpu.enqueue_dma source(%arg6 : memref<32x1024xf32, #tpu.memory_space<vmem>>) target(%dma_start3A_145 : memref<32x1024xf32, #tpu.memory_space<hbm>>) target_semaphore(%arg12 : memref<!tpu.dma_semaphore, #tpu.memory_space<semaphore_mem>>)
    %add3A_146 = arith.constant 64 : i32
    %add3A_147 = arith.addi %mul3A_2, %add3A_146 : i32
    %dma_start3A_148 = arith.constant 1 : i32
    %dma_start3A_149 = arith.constant 1024 : i32
    %dma_start3A_150 = tpu.memref_slice %arg3[%dma_start3A_148, %add3A_147, %dma_start3A_149] : memref<4x8192x2048xf32, #tpu.memory_space<hbm>> -> memref<1x32x1024xf32, #tpu.memory_space<hbm>>
    %dma_start3A_151 = tpu.memref_squeeze %dma_start3A_150 : memref<1x32x1024xf32, #tpu.memory_space<hbm>> -> memref<32x1024xf32, #tpu.memory_space<hbm>>
    %dma_start3A_152 = arith.constant 1024 : i32
    %dma_start3A_153 = tpu.memref_slice %arg3[%dma_start3A_148, %add3A_147, %dma_start3A_152] : memref<4x8192x2048xf32, #tpu.memory_space<hbm>> -> memref<1x32x1024xf32, #tpu.memory_space<hbm>>
    %dma_start3A_154 = tpu.memref_squeeze %dma_start3A_153 : memref<1x32x1024xf32, #tpu.memory_space<hbm>> -> memref<32x1024xf32, #tpu.memory_space<hbm>>
    tpu.enqueue_dma source(%arg6 : memref<32x1024xf32, #tpu.memory_space<vmem>>) target(%dma_start3A_154 : memref<32x1024xf32, #tpu.memory_space<hbm>>) target_semaphore(%arg12 : memref<!tpu.dma_semaphore, #tpu.memory_space<semaphore_mem>>)
    %add3A_155 = arith.constant 64 : i32
    %add3A_156 = arith.addi %mul3A_2, %add3A_155 : i32
    %dma_start3A_157 = arith.constant 2 : i32
    %dma_start3A_158 = arith.constant 1024 : i32
    %dma_start3A_159 = tpu.memref_slice %arg3[%dma_start3A_157, %add3A_156, %dma_start3A_158] : memref<4x8192x2048xf32, #tpu.memory_space<hbm>> -> memref<1x32x1024xf32, #tpu.memory_space<hbm>>
    %dma_start3A_160 = tpu.memref_squeeze %dma_start3A_159 : memref<1x32x1024xf32, #tpu.memory_space<hbm>> -> memref<32x1024xf32, #tpu.memory_space<hbm>>
    %dma_start3A_161 = arith.constant 1024 : i32
    %dma_start3A_162 = tpu.memref_slice %arg3[%dma_start3A_157, %add3A_156, %dma_start3A_161] : memref<4x8192x2048xf32, #tpu.memory_space<hbm>> -> memref<1x32x1024xf32, #tpu.memory_space<hbm>>
    %dma_start3A_163 = tpu.memref_squeeze %dma_start3A_162 : memref<1x32x1024xf32, #tpu.memory_space<hbm>> -> memref<32x1024xf32, #tpu.memory_space<hbm>>
    tpu.enqueue_dma source(%arg6 : memref<32x1024xf32, #tpu.memory_space<vmem>>) target(%dma_start3A_163 : memref<32x1024xf32, #tpu.memory_space<hbm>>) target_semaphore(%arg12 : memref<!tpu.dma_semaphore, #tpu.memory_space<semaphore_mem>>)
    %add3A_164 = arith.constant 64 : i32
    %add3A_165 = arith.addi %mul3A_2, %add3A_164 : i32
    %dma_start3A_166 = arith.constant 3 : i32
    %dma_start3A_167 = arith.constant 1024 : i32
    %dma_start3A_168 = tpu.memref_slice %arg3[%dma_start3A_166, %add3A_165, %dma_start3A_167] : memref<4x8192x2048xf32, #tpu.memory_space<hbm>> -> memref<1x32x1024xf32, #tpu.memory_space<hbm>>
    %dma_start3A_169 = tpu.memref_squeeze %dma_start3A_168 : memref<1x32x1024xf32, #tpu.memory_space<hbm>> -> memref<32x1024xf32, #tpu.memory_space<hbm>>
    %dma_start3A_170 = arith.constant 1024 : i32
    %dma_start3A_171 = tpu.memref_slice %arg3[%dma_start3A_166, %add3A_165, %dma_start3A_170] : memref<4x8192x2048xf32, #tpu.memory_space<hbm>> -> memref<1x32x1024xf32, #tpu.memory_space<hbm>>
    %dma_start3A_172 = tpu.memref_squeeze %dma_start3A_171 : memref<1x32x1024xf32, #tpu.memory_space<hbm>> -> memref<32x1024xf32, #tpu.memory_space<hbm>>
    tpu.enqueue_dma source(%arg6 : memref<32x1024xf32, #tpu.memory_space<vmem>>) target(%dma_start3A_172 : memref<32x1024xf32, #tpu.memory_space<hbm>>) target_semaphore(%arg12 : memref<!tpu.dma_semaphore, #tpu.memory_space<semaphore_mem>>)
    %dma_wait3A_173 = arith.constant 0 : i32
    %dma_wait3A_174 = arith.constant 1024 : i32
    %dma_wait3A_175 = tpu.memref_slice %arg3[%dma_wait3A_173, %add3A_64, %dma_wait3A_174] : memref<4x8192x2048xf32, #tpu.memory_space<hbm>> -> memref<1x32x1024xf32, #tpu.memory_space<hbm>>
    %dma_wait3A_176 = tpu.memref_squeeze %dma_wait3A_175 : memref<1x32x1024xf32, #tpu.memory_space<hbm>> -> memref<32x1024xf32, #tpu.memory_space<hbm>>
    %dma_wait3A_177 = arith.constant 1024 : i32
    %dma_wait3A_178 = tpu.memref_slice %arg3[%dma_wait3A_173, %add3A_64, %dma_wait3A_177] : memref<4x8192x2048xf32, #tpu.memory_space<hbm>> -> memref<1x32x1024xf32, #tpu.memory_space<hbm>>
    %dma_wait3A_179 = tpu.memref_squeeze %dma_wait3A_178 : memref<1x32x1024xf32, #tpu.memory_space<hbm>> -> memref<32x1024xf32, #tpu.memory_space<hbm>>
    tpu.wait_dma2 semaphore(%arg11 : memref<!tpu.dma_semaphore, #tpu.memory_space<semaphore_mem>>) src(%arg5 : memref<32x1024xf32, #tpu.memory_space<vmem>>) dst(%dma_wait3A_179 : memref<32x1024xf32, #tpu.memory_space<hbm>>)
    %dma_wait3A_180 = arith.constant 1 : i32
    %dma_wait3A_181 = arith.constant 1024 : i32
    %dma_wait3A_182 = tpu.memref_slice %arg3[%dma_wait3A_180, %add3A_73, %dma_wait3A_181] : memref<4x8192x2048xf32, #tpu.memory_space<hbm>> -> memref<1x32x1024xf32, #tpu.memory_space<hbm>>
    %dma_wait3A_183 = tpu.memref_squeeze %dma_wait3A_182 : memref<1x32x1024xf32, #tpu.memory_space<hbm>> -> memref<32x1024xf32, #tpu.memory_space<hbm>>
    %dma_wait3A_184 = arith.constant 1024 : i32
    %dma_wait3A_185 = tpu.memref_slice %arg3[%dma_wait3A_180, %add3A_73, %dma_wait3A_184] : memref<4x8192x2048xf32, #tpu.memory_space<hbm>> -> memref<1x32x1024xf32, #tpu.memory_space<hbm>>
    %dma_wait3A_186 = tpu.memref_squeeze %dma_wait3A_185 : memref<1x32x1024xf32, #tpu.memory_space<hbm>> -> memref<32x1024xf32, #tpu.memory_space<hbm>>
    tpu.wait_dma2 semaphore(%arg11 : memref<!tpu.dma_semaphore, #tpu.memory_space<semaphore_mem>>) src(%arg5 : memref<32x1024xf32, #tpu.memory_space<vmem>>) dst(%dma_wait3A_186 : memref<32x1024xf32, #tpu.memory_space<hbm>>)
    %dma_wait3A_187 = arith.constant 2 : i32
    %dma_wait3A_188 = arith.constant 1024 : i32
    %dma_wait3A_189 = tpu.memref_slice %arg3[%dma_wait3A_187, %add3A_82, %dma_wait3A_188] : memref<4x8192x2048xf32, #tpu.memory_space<hbm>> -> memref<1x32x1024xf32, #tpu.memory_space<hbm>>
    %dma_wait3A_190 = tpu.memref_squeeze %dma_wait3A_189 : memref<1x32x1024xf32, #tpu.memory_space<hbm>> -> memref<32x1024xf32, #tpu.memory_space<hbm>>
    %dma_wait3A_191 = arith.constant 1024 : i32
    %dma_wait3A_192 = tpu.memref_slice %arg3[%dma_wait3A_187, %add3A_82, %dma_wait3A_191] : memref<4x8192x2048xf32, #tpu.memory_space<hbm>> -> memref<1x32x1024xf32, #tpu.memory_space<hbm>>
    %dma_wait3A_193 = tpu.memref_squeeze %dma_wait3A_192 : memref<1x32x1024xf32, #tpu.memory_space<hbm>> -> memref<32x1024xf32, #tpu.memory_space<hbm>>
    tpu.wait_dma2 semaphore(%arg11 : memref<!tpu.dma_semaphore, #tpu.memory_space<semaphore_mem>>) src(%arg5 : memref<32x1024xf32, #tpu.memory_space<vmem>>) dst(%dma_wait3A_193 : memref<32x1024xf32, #tpu.memory_space<hbm>>)
    %dma_wait3A_194 = arith.constant 3 : i32
    %dma_wait3A_195 = arith.constant 1024 : i32
    %dma_wait3A_196 = tpu.memref_slice %arg3[%dma_wait3A_194, %add3A_91, %dma_wait3A_195] : memref<4x8192x2048xf32, #tpu.memory_space<hbm>> -> memref<1x32x1024xf32, #tpu.memory_space<hbm>>
    %dma_wait3A_197 = tpu.memref_squeeze %dma_wait3A_196 : memref<1x32x1024xf32, #tpu.memory_space<hbm>> -> memref<32x1024xf32, #tpu.memory_space<hbm>>
    %dma_wait3A_198 = arith.constant 1024 : i32
    %dma_wait3A_199 = tpu.memref_slice %arg3[%dma_wait3A_194, %add3A_91, %dma_wait3A_198] : memref<4x8192x2048xf32, #tpu.memory_space<hbm>> -> memref<1x32x1024xf32, #tpu.memory_space<hbm>>
    %dma_wait3A_200 = tpu.memref_squeeze %dma_wait3A_199 : memref<1x32x1024xf32, #tpu.memory_space<hbm>> -> memref<32x1024xf32, #tpu.memory_space<hbm>>
    tpu.wait_dma2 semaphore(%arg11 : memref<!tpu.dma_semaphore, #tpu.memory_space<semaphore_mem>>) src(%arg5 : memref<32x1024xf32, #tpu.memory_space<vmem>>) dst(%dma_wait3A_200 : memref<32x1024xf32, #tpu.memory_space<hbm>>)
    %add3A_201 = arith.constant 128 : i32
    %add3A_202 = arith.addi %mul3A_2, %add3A_201 : i32
    %dma_start3A_203 = arith.constant 0 : i32
    %dma_start3A_204 = tpu.memref_slice %arg2[%add3A_202, %dma_start3A_203] : memref<8192x1024xf32, #tpu.memory_space<hbm>> -> memref<32x1024xf32, #tpu.memory_space<hbm>>
    %dma_start3A_205 = arith.constant 0 : i32
    %dma_start3A_206 = tpu.memref_slice %arg2[%add3A_202, %dma_start3A_205] : memref<8192x1024xf32, #tpu.memory_space<hbm>> -> memref<32x1024xf32, #tpu.memory_space<hbm>>
    tpu.enqueue_dma source(%dma_start3A_206 : memref<32x1024xf32, #tpu.memory_space<hbm>>) target(%arg5 : memref<32x1024xf32, #tpu.memory_space<vmem>>) target_semaphore(%arg8 : memref<!tpu.dma_semaphore, #tpu.memory_space<semaphore_mem>>)
    %dma_wait3A_207 = arith.constant 0 : i32
    %dma_wait3A_208 = tpu.memref_slice %arg2[%add3A_128, %dma_wait3A_207] : memref<8192x1024xf32, #tpu.memory_space<hbm>> -> memref<32x1024xf32, #tpu.memory_space<hbm>>
    %dma_wait3A_209 = arith.constant 0 : i32
    %dma_wait3A_210 = tpu.memref_slice %arg2[%add3A_128, %dma_wait3A_209] : memref<8192x1024xf32, #tpu.memory_space<hbm>> -> memref<32x1024xf32, #tpu.memory_space<hbm>>
    tpu.wait_dma2 semaphore(%arg7 : memref<!tpu.dma_semaphore, #tpu.memory_space<semaphore_mem>>) src(%dma_wait3A_210 : memref<32x1024xf32, #tpu.memory_space<hbm>>) dst(%arg4 : memref<32x1024xf32, #tpu.memory_space<vmem>>)
    %add3A_211 = arith.constant 96 : i32
    %add3A_212 = arith.addi %mul3A_2, %add3A_211 : i32
    %dma_start3A_213 = arith.constant 0 : i32
    %dma_start3A_214 = arith.constant 1024 : i32
    %dma_start3A_215 = tpu.memref_slice %arg3[%dma_start3A_213, %add3A_212, %dma_start3A_214] : memref<4x8192x2048xf32, #tpu.memory_space<hbm>> -> memref<1x32x1024xf32, #tpu.memory_space<hbm>>
    %dma_start3A_216 = tpu.memref_squeeze %dma_start3A_215 : memref<1x32x1024xf32, #tpu.memory_space<hbm>> -> memref<32x1024xf32, #tpu.memory_space<hbm>>
    %dma_start3A_217 = arith.constant 1024 : i32
    %dma_start3A_218 = tpu.memref_slice %arg3[%dma_start3A_213, %add3A_212, %dma_start3A_217] : memref<4x8192x2048xf32, #tpu.memory_space<hbm>> -> memref<1x32x1024xf32, #tpu.memory_space<hbm>>
    %dma_start3A_219 = tpu.memref_squeeze %dma_start3A_218 : memref<1x32x1024xf32, #tpu.memory_space<hbm>> -> memref<32x1024xf32, #tpu.memory_space<hbm>>
    tpu.enqueue_dma source(%arg4 : memref<32x1024xf32, #tpu.memory_space<vmem>>) target(%dma_start3A_219 : memref<32x1024xf32, #tpu.memory_space<hbm>>) target_semaphore(%arg10 : memref<!tpu.dma_semaphore, #tpu.memory_space<semaphore_mem>>)
    %add3A_220 = arith.constant 96 : i32
    %add3A_221 = arith.addi %mul3A_2, %add3A_220 : i32
    %dma_start3A_222 = arith.constant 1 : i32
    %dma_start3A_223 = arith.constant 1024 : i32
    %dma_start3A_224 = tpu.memref_slice %arg3[%dma_start3A_222, %add3A_221, %dma_start3A_223] : memref<4x8192x2048xf32, #tpu.memory_space<hbm>> -> memref<1x32x1024xf32, #tpu.memory_space<hbm>>
    %dma_start3A_225 = tpu.memref_squeeze %dma_start3A_224 : memref<1x32x1024xf32, #tpu.memory_space<hbm>> -> memref<32x1024xf32, #tpu.memory_space<hbm>>
    %dma_start3A_226 = arith.constant 1024 : i32
    %dma_start3A_227 = tpu.memref_slice %arg3[%dma_start3A_222, %add3A_221, %dma_start3A_226] : memref<4x8192x2048xf32, #tpu.memory_space<hbm>> -> memref<1x32x1024xf32, #tpu.memory_space<hbm>>
    %dma_start3A_228 = tpu.memref_squeeze %dma_start3A_227 : memref<1x32x1024xf32, #tpu.memory_space<hbm>> -> memref<32x1024xf32, #tpu.memory_space<hbm>>
    tpu.enqueue_dma source(%arg4 : memref<32x1024xf32, #tpu.memory_space<vmem>>) target(%dma_start3A_228 : memref<32x1024xf32, #tpu.memory_space<hbm>>) target_semaphore(%arg10 : memref<!tpu.dma_semaphore, #tpu.memory_space<semaphore_mem>>)
    %add3A_229 = arith.constant 96 : i32
    %add3A_230 = arith.addi %mul3A_2, %add3A_229 : i32
    %dma_start3A_231 = arith.constant 2 : i32
    %dma_start3A_232 = arith.constant 1024 : i32
    %dma_start3A_233 = tpu.memref_slice %arg3[%dma_start3A_231, %add3A_230, %dma_start3A_232] : memref<4x8192x2048xf32, #tpu.memory_space<hbm>> -> memref<1x32x1024xf32, #tpu.memory_space<hbm>>
    %dma_start3A_234 = tpu.memref_squeeze %dma_start3A_233 : memref<1x32x1024xf32, #tpu.memory_space<hbm>> -> memref<32x1024xf32, #tpu.memory_space<hbm>>
    %dma_start3A_235 = arith.constant 1024 : i32
    %dma_start3A_236 = tpu.memref_slice %arg3[%dma_start3A_231, %add3A_230, %dma_start3A_235] : memref<4x8192x2048xf32, #tpu.memory_space<hbm>> -> memref<1x32x1024xf32, #tpu.memory_space<hbm>>
    %dma_start3A_237 = tpu.memref_squeeze %dma_start3A_236 : memref<1x32x1024xf32, #tpu.memory_space<hbm>> -> memref<32x1024xf32, #tpu.memory_space<hbm>>
    tpu.enqueue_dma source(%arg4 : memref<32x1024xf32, #tpu.memory_space<vmem>>) target(%dma_start3A_237 : memref<32x1024xf32, #tpu.memory_space<hbm>>) target_semaphore(%arg10 : memref<!tpu.dma_semaphore, #tpu.memory_space<semaphore_mem>>)
    %add3A_238 = arith.constant 96 : i32
    %add3A_239 = arith.addi %mul3A_2, %add3A_238 : i32
    %dma_start3A_240 = arith.constant 3 : i32
    %dma_start3A_241 = arith.constant 1024 : i32
    %dma_start3A_242 = tpu.memref_slice %arg3[%dma_start3A_240, %add3A_239, %dma_start3A_241] : memref<4x8192x2048xf32, #tpu.memory_space<hbm>> -> memref<1x32x1024xf32, #tpu.memory_space<hbm>>
    %dma_start3A_243 = tpu.memref_squeeze %dma_start3A_242 : memref<1x32x1024xf32, #tpu.memory_space<hbm>> -> memref<32x1024xf32, #tpu.memory_space<hbm>>
    %dma_start3A_244 = arith.constant 1024 : i32
    %dma_start3A_245 = tpu.memref_slice %arg3[%dma_start3A_240, %add3A_239, %dma_start3A_244] : memref<4x8192x2048xf32, #tpu.memory_space<hbm>> -> memref<1x32x1024xf32, #tpu.memory_space<hbm>>
    %dma_start3A_246 = tpu.memref_squeeze %dma_start3A_245 : memref<1x32x1024xf32, #tpu.memory_space<hbm>> -> memref<32x1024xf32, #tpu.memory_space<hbm>>
    tpu.enqueue_dma source(%arg4 : memref<32x1024xf32, #tpu.memory_space<vmem>>) target(%dma_start3A_246 : memref<32x1024xf32, #tpu.memory_space<hbm>>) target_semaphore(%arg10 : memref<!tpu.dma_semaphore, #tpu.memory_space<semaphore_mem>>)
    %dma_wait3A_247 = arith.constant 0 : i32
    %dma_wait3A_248 = arith.constant 1024 : i32
    %dma_wait3A_249 = tpu.memref_slice %arg3[%dma_wait3A_247, %add3A_138, %dma_wait3A_248] : memref<4x8192x2048xf32, #tpu.memory_space<hbm>> -> memref<1x32x1024xf32, #tpu.memory_space<hbm>>
    %dma_wait3A_250 = tpu.memref_squeeze %dma_wait3A_249 : memref<1x32x1024xf32, #tpu.memory_space<hbm>> -> memref<32x1024xf32, #tpu.memory_space<hbm>>
    %dma_wait3A_251 = arith.constant 1024 : i32
    %dma_wait3A_252 = tpu.memref_slice %arg3[%dma_wait3A_247, %add3A_138, %dma_wait3A_251] : memref<4x8192x2048xf32, #tpu.memory_space<hbm>> -> memref<1x32x1024xf32, #tpu.memory_space<hbm>>
    %dma_wait3A_253 = tpu.memref_squeeze %dma_wait3A_252 : memref<1x32x1024xf32, #tpu.memory_space<hbm>> -> memref<32x1024xf32, #tpu.memory_space<hbm>>
    tpu.wait_dma2 semaphore(%arg12 : memref<!tpu.dma_semaphore, #tpu.memory_space<semaphore_mem>>) src(%arg6 : memref<32x1024xf32, #tpu.memory_space<vmem>>) dst(%dma_wait3A_253 : memref<32x1024xf32, #tpu.memory_space<hbm>>)
    %dma_wait3A_254 = arith.constant 1 : i32
    %dma_wait3A_255 = arith.constant 1024 : i32
    %dma_wait3A_256 = tpu.memref_slice %arg3[%dma_wait3A_254, %add3A_147, %dma_wait3A_255] : memref<4x8192x2048xf32, #tpu.memory_space<hbm>> -> memref<1x32x1024xf32, #tpu.memory_space<hbm>>
    %dma_wait3A_257 = tpu.memref_squeeze %dma_wait3A_256 : memref<1x32x1024xf32, #tpu.memory_space<hbm>> -> memref<32x1024xf32, #tpu.memory_space<hbm>>
    %dma_wait3A_258 = arith.constant 1024 : i32
    %dma_wait3A_259 = tpu.memref_slice %arg3[%dma_wait3A_254, %add3A_147, %dma_wait3A_258] : memref<4x8192x2048xf32, #tpu.memory_space<hbm>> -> memref<1x32x1024xf32, #tpu.memory_space<hbm>>
    %dma_wait3A_260 = tpu.memref_squeeze %dma_wait3A_259 : memref<1x32x1024xf32, #tpu.memory_space<hbm>> -> memref<32x1024xf32, #tpu.memory_space<hbm>>
    tpu.wait_dma2 semaphore(%arg12 : memref<!tpu.dma_semaphore, #tpu.memory_space<semaphore_mem>>) src(%arg6 : memref<32x1024xf32, #tpu.memory_space<vmem>>) dst(%dma_wait3A_260 : memref<32x1024xf32, #tpu.memory_space<hbm>>)
    %dma_wait3A_261 = arith.constant 2 : i32
    %dma_wait3A_262 = arith.constant 1024 : i32
    %dma_wait3A_263 = tpu.memref_slice %arg3[%dma_wait3A_261, %add3A_156, %dma_wait3A_262] : memref<4x8192x2048xf32, #tpu.memory_space<hbm>> -> memref<1x32x1024xf32, #tpu.memory_space<hbm>>
    %dma_wait3A_264 = tpu.memref_squeeze %dma_wait3A_263 : memref<1x32x1024xf32, #tpu.memory_space<hbm>> -> memref<32x1024xf32, #tpu.memory_space<hbm>>
    %dma_wait3A_265 = arith.constant 1024 : i32
    %dma_wait3A_266 = tpu.memref_slice %arg3[%dma_wait3A_261, %add3A_156, %dma_wait3A_265] : memref<4x8192x2048xf32, #tpu.memory_space<hbm>> -> memref<1x32x1024xf32, #tpu.memory_space<hbm>>
    %dma_wait3A_267 = tpu.memref_squeeze %dma_wait3A_266 : memref<1x32x1024xf32, #tpu.memory_space<hbm>> -> memref<32x1024xf32, #tpu.memory_space<hbm>>
    tpu.wait_dma2 semaphore(%arg12 : memref<!tpu.dma_semaphore, #tpu.memory_space<semaphore_mem>>) src(%arg6 : memref<32x1024xf32, #tpu.memory_space<vmem>>) dst(%dma_wait3A_267 : memref<32x1024xf32, #tpu.memory_space<hbm>>)
    %dma_wait3A_268 = arith.constant 3 : i32
    %dma_wait3A_269 = arith.constant 1024 : i32
    %dma_wait3A_270 = tpu.memref_slice %arg3[%dma_wait3A_268, %add3A_165, %dma_wait3A_269] : memref<4x8192x2048xf32, #tpu.memory_space<hbm>> -> memref<1x32x1024xf32, #tpu.memory_space<hbm>>
    %dma_wait3A_271 = tpu.memref_squeeze %dma_wait3A_270 : memref<1x32x1024xf32, #tpu.memory_space<hbm>> -> memref<32x1024xf32, #tpu.memory_space<hbm>>
    %dma_wait3A_272 = arith.constant 1024 : i32
    %dma_wait3A_273 = tpu.memref_slice %arg3[%dma_wait3A_268, %add3A_165, %dma_wait3A_272] : memref<4x8192x2048xf32, #tpu.memory_space<hbm>> -> memref<1x32x1024xf32, #tpu.memory_space<hbm>>
    %dma_wait3A_274 = tpu.memref_squeeze %dma_wait3A_273 : memref<1x32x1024xf32, #tpu.memory_space<hbm>> -> memref<32x1024xf32, #tpu.memory_space<hbm>>
    tpu.wait_dma2 semaphore(%arg12 : memref<!tpu.dma_semaphore, #tpu.memory_space<semaphore_mem>>) src(%arg6 : memref<32x1024xf32, #tpu.memory_space<vmem>>) dst(%dma_wait3A_274 : memref<32x1024xf32, #tpu.memory_space<hbm>>)
    %add3A_275 = arith.constant 160 : i32
    %add3A_276 = arith.addi %mul3A_2, %add3A_275 : i32
    %dma_start3A_277 = arith.constant 0 : i32
    %dma_start3A_278 = tpu.memref_slice %arg2[%add3A_276, %dma_start3A_277] : memref<8192x1024xf32, #tpu.memory_space<hbm>> -> memref<32x1024xf32, #tpu.memory_space<hbm>>
    %dma_start3A_279 = arith.constant 0 : i32
    %dma_start3A_280 = tpu.memref_slice %arg2[%add3A_276, %dma_start3A_279] : memref<8192x1024xf32, #tpu.memory_space<hbm>> -> memref<32x1024xf32, #tpu.memory_space<hbm>>
    tpu.enqueue_dma source(%dma_start3A_280 : memref<32x1024xf32, #tpu.memory_space<hbm>>) target(%arg6 : memref<32x1024xf32, #tpu.memory_space<vmem>>) target_semaphore(%arg9 : memref<!tpu.dma_semaphore, #tpu.memory_space<semaphore_mem>>)
    %dma_wait3A_281 = arith.constant 0 : i32
    %dma_wait3A_282 = tpu.memref_slice %arg2[%add3A_202, %dma_wait3A_281] : memref<8192x1024xf32, #tpu.memory_space<hbm>> -> memref<32x1024xf32, #tpu.memory_space<hbm>>
    %dma_wait3A_283 = arith.constant 0 : i32
    %dma_wait3A_284 = tpu.memref_slice %arg2[%add3A_202, %dma_wait3A_283] : memref<8192x1024xf32, #tpu.memory_space<hbm>> -> memref<32x1024xf32, #tpu.memory_space<hbm>>
    tpu.wait_dma2 semaphore(%arg8 : memref<!tpu.dma_semaphore, #tpu.memory_space<semaphore_mem>>) src(%dma_wait3A_284 : memref<32x1024xf32, #tpu.memory_space<hbm>>) dst(%arg5 : memref<32x1024xf32, #tpu.memory_space<vmem>>)
    %add3A_285 = arith.constant 128 : i32
    %add3A_286 = arith.addi %mul3A_2, %add3A_285 : i32
    %dma_start3A_287 = arith.constant 0 : i32
    %dma_start3A_288 = arith.constant 1024 : i32
    %dma_start3A_289 = tpu.memref_slice %arg3[%dma_start3A_287, %add3A_286, %dma_start3A_288] : memref<4x8192x2048xf32, #tpu.memory_space<hbm>> -> memref<1x32x1024xf32, #tpu.memory_space<hbm>>
    %dma_start3A_290 = tpu.memref_squeeze %dma_start3A_289 : memref<1x32x1024xf32, #tpu.memory_space<hbm>> -> memref<32x1024xf32, #tpu.memory_space<hbm>>
    %dma_start3A_291 = arith.constant 1024 : i32
    %dma_start3A_292 = tpu.memref_slice %arg3[%dma_start3A_287, %add3A_286, %dma_start3A_291] : memref<4x8192x2048xf32, #tpu.memory_space<hbm>> -> memref<1x32x1024xf32, #tpu.memory_space<hbm>>
    %dma_start3A_293 = tpu.memref_squeeze %dma_start3A_292 : memref<1x32x1024xf32, #tpu.memory_space<hbm>> -> memref<32x1024xf32, #tpu.memory_space<hbm>>
    tpu.enqueue_dma source(%arg5 : memref<32x1024xf32, #tpu.memory_space<vmem>>) target(%dma_start3A_293 : memref<32x1024xf32, #tpu.memory_space<hbm>>) target_semaphore(%arg11 : memref<!tpu.dma_semaphore, #tpu.memory_space<semaphore_mem>>)
    %add3A_294 = arith.constant 128 : i32
    %add3A_295 = arith.addi %mul3A_2, %add3A_294 : i32
    %dma_start3A_296 = arith.constant 1 : i32
    %dma_start3A_297 = arith.constant 1024 : i32
    %dma_start3A_298 = tpu.memref_slice %arg3[%dma_start3A_296, %add3A_295, %dma_start3A_297] : memref<4x8192x2048xf32, #tpu.memory_space<hbm>> -> memref<1x32x1024xf32, #tpu.memory_space<hbm>>
    %dma_start3A_299 = tpu.memref_squeeze %dma_start3A_298 : memref<1x32x1024xf32, #tpu.memory_space<hbm>> -> memref<32x1024xf32, #tpu.memory_space<hbm>>
    %dma_start3A_300 = arith.constant 1024 : i32
    %dma_start3A_301 = tpu.memref_slice %arg3[%dma_start3A_296, %add3A_295, %dma_start3A_300] : memref<4x8192x2048xf32, #tpu.memory_space<hbm>> -> memref<1x32x1024xf32, #tpu.memory_space<hbm>>
    %dma_start3A_302 = tpu.memref_squeeze %dma_start3A_301 : memref<1x32x1024xf32, #tpu.memory_space<hbm>> -> memref<32x1024xf32, #tpu.memory_space<hbm>>
    tpu.enqueue_dma source(%arg5 : memref<32x1024xf32, #tpu.memory_space<vmem>>) target(%dma_start3A_302 : memref<32x1024xf32, #tpu.memory_space<hbm>>) target_semaphore(%arg11 : memref<!tpu.dma_semaphore, #tpu.memory_space<semaphore_mem>>)
    %add3A_303 = arith.constant 128 : i32
    %add3A_304 = arith.addi %mul3A_2, %add3A_303 : i32
    %dma_start3A_305 = arith.constant 2 : i32
    %dma_start3A_306 = arith.constant 1024 : i32
    %dma_start3A_307 = tpu.memref_slice %arg3[%dma_start3A_305, %add3A_304, %dma_start3A_306] : memref<4x8192x2048xf32, #tpu.memory_space<hbm>> -> memref<1x32x1024xf32, #tpu.memory_space<hbm>>
    %dma_start3A_308 = tpu.memref_squeeze %dma_start3A_307 : memref<1x32x1024xf32, #tpu.memory_space<hbm>> -> memref<32x1024xf32, #tpu.memory_space<hbm>>
    %dma_start3A_309 = arith.constant 1024 : i32
    %dma_start3A_310 = tpu.memref_slice %arg3[%dma_start3A_305, %add3A_304, %dma_start3A_309] : memref<4x8192x2048xf32, #tpu.memory_space<hbm>> -> memref<1x32x1024xf32, #tpu.memory_space<hbm>>
    %dma_start3A_311 = tpu.memref_squeeze %dma_start3A_310 : memref<1x32x1024xf32, #tpu.memory_space<hbm>> -> memref<32x1024xf32, #tpu.memory_space<hbm>>
    tpu.enqueue_dma source(%arg5 : memref<32x1024xf32, #tpu.memory_space<vmem>>) target(%dma_start3A_311 : memref<32x1024xf32, #tpu.memory_space<hbm>>) target_semaphore(%arg11 : memref<!tpu.dma_semaphore, #tpu.memory_space<semaphore_mem>>)
    %add3A_312 = arith.constant 128 : i32
    %add3A_313 = arith.addi %mul3A_2, %add3A_312 : i32
    %dma_start3A_314 = arith.constant 3 : i32
    %dma_start3A_315 = arith.constant 1024 : i32
    %dma_start3A_316 = tpu.memref_slice %arg3[%dma_start3A_314, %add3A_313, %dma_start3A_315] : memref<4x8192x2048xf32, #tpu.memory_space<hbm>> -> memref<1x32x1024xf32, #tpu.memory_space<hbm>>
    %dma_start3A_317 = tpu.memref_squeeze %dma_start3A_316 : memref<1x32x1024xf32, #tpu.memory_space<hbm>> -> memref<32x1024xf32, #tpu.memory_space<hbm>>
    %dma_start3A_318 = arith.constant 1024 : i32
    %dma_start3A_319 = tpu.memref_slice %arg3[%dma_start3A_314, %add3A_313, %dma_start3A_318] : memref<4x8192x2048xf32, #tpu.memory_space<hbm>> -> memref<1x32x1024xf32, #tpu.memory_space<hbm>>
    %dma_start3A_320 = tpu.memref_squeeze %dma_start3A_319 : memref<1x32x1024xf32, #tpu.memory_space<hbm>> -> memref<32x1024xf32, #tpu.memory_space<hbm>>
    tpu.enqueue_dma source(%arg5 : memref<32x1024xf32, #tpu.memory_space<vmem>>) target(%dma_start3A_320 : memref<32x1024xf32, #tpu.memory_space<hbm>>) target_semaphore(%arg11 : memref<!tpu.dma_semaphore, #tpu.memory_space<semaphore_mem>>)
    %dma_wait3A_321 = arith.constant 0 : i32
    %dma_wait3A_322 = arith.constant 1024 : i32
    %dma_wait3A_323 = tpu.memref_slice %arg3[%dma_wait3A_321, %add3A_212, %dma_wait3A_322] : memref<4x8192x2048xf32, #tpu.memory_space<hbm>> -> memref<1x32x1024xf32, #tpu.memory_space<hbm>>
    %dma_wait3A_324 = tpu.memref_squeeze %dma_wait3A_323 : memref<1x32x1024xf32, #tpu.memory_space<hbm>> -> memref<32x1024xf32, #tpu.memory_space<hbm>>
    %dma_wait3A_325 = arith.constant 1024 : i32
    %dma_wait3A_326 = tpu.memref_slice %arg3[%dma_wait3A_321, %add3A_212, %dma_wait3A_325] : memref<4x8192x2048xf32, #tpu.memory_space<hbm>> -> memref<1x32x1024xf32, #tpu.memory_space<hbm>>
    %dma_wait3A_327 = tpu.memref_squeeze %dma_wait3A_326 : memref<1x32x1024xf32, #tpu.memory_space<hbm>> -> memref<32x1024xf32, #tpu.memory_space<hbm>>
    tpu.wait_dma2 semaphore(%arg10 : memref<!tpu.dma_semaphore, #tpu.memory_space<semaphore_mem>>) src(%arg4 : memref<32x1024xf32, #tpu.memory_space<vmem>>) dst(%dma_wait3A_327 : memref<32x1024xf32, #tpu.memory_space<hbm>>)
    %dma_wait3A_328 = arith.constant 1 : i32
    %dma_wait3A_329 = arith.constant 1024 : i32
    %dma_wait3A_330 = tpu.memref_slice %arg3[%dma_wait3A_328, %add3A_221, %dma_wait3A_329] : memref<4x8192x2048xf32, #tpu.memory_space<hbm>> -> memref<1x32x1024xf32, #tpu.memory_space<hbm>>
    %dma_wait3A_331 = tpu.memref_squeeze %dma_wait3A_330 : memref<1x32x1024xf32, #tpu.memory_space<hbm>> -> memref<32x1024xf32, #tpu.memory_space<hbm>>
    %dma_wait3A_332 = arith.constant 1024 : i32
    %dma_wait3A_333 = tpu.memref_slice %arg3[%dma_wait3A_328, %add3A_221, %dma_wait3A_332] : memref<4x8192x2048xf32, #tpu.memory_space<hbm>> -> memref<1x32x1024xf32, #tpu.memory_space<hbm>>
    %dma_wait3A_334 = tpu.memref_squeeze %dma_wait3A_333 : memref<1x32x1024xf32, #tpu.memory_space<hbm>> -> memref<32x1024xf32, #tpu.memory_space<hbm>>
    tpu.wait_dma2 semaphore(%arg10 : memref<!tpu.dma_semaphore, #tpu.memory_space<semaphore_mem>>) src(%arg4 : memref<32x1024xf32, #tpu.memory_space<vmem>>) dst(%dma_wait3A_334 : memref<32x1024xf32, #tpu.memory_space<hbm>>)
    %dma_wait3A_335 = arith.constant 2 : i32
    %dma_wait3A_336 = arith.constant 1024 : i32
    %dma_wait3A_337 = tpu.memref_slice %arg3[%dma_wait3A_335, %add3A_230, %dma_wait3A_336] : memref<4x8192x2048xf32, #tpu.memory_space<hbm>> -> memref<1x32x1024xf32, #tpu.memory_space<hbm>>
    %dma_wait3A_338 = tpu.memref_squeeze %dma_wait3A_337 : memref<1x32x1024xf32, #tpu.memory_space<hbm>> -> memref<32x1024xf32, #tpu.memory_space<hbm>>
    %dma_wait3A_339 = arith.constant 1024 : i32
    %dma_wait3A_340 = tpu.memref_slice %arg3[%dma_wait3A_335, %add3A_230, %dma_wait3A_339] : memref<4x8192x2048xf32, #tpu.memory_space<hbm>> -> memref<1x32x1024xf32, #tpu.memory_space<hbm>>
    %dma_wait3A_341 = tpu.memref_squeeze %dma_wait3A_340 : memref<1x32x1024xf32, #tpu.memory_space<hbm>> -> memref<32x1024xf32, #tpu.memory_space<hbm>>
    tpu.wait_dma2 semaphore(%arg10 : memref<!tpu.dma_semaphore, #tpu.memory_space<semaphore_mem>>) src(%arg4 : memref<32x1024xf32, #tpu.memory_space<vmem>>) dst(%dma_wait3A_341 : memref<32x1024xf32, #tpu.memory_space<hbm>>)
    %dma_wait3A_342 = arith.constant 3 : i32
    %dma_wait3A_343 = arith.constant 1024 : i32
    %dma_wait3A_344 = tpu.memref_slice %arg3[%dma_wait3A_342, %add3A_239, %dma_wait3A_343] : memref<4x8192x2048xf32, #tpu.memory_space<hbm>> -> memref<1x32x1024xf32, #tpu.memory_space<hbm>>
    %dma_wait3A_345 = tpu.memref_squeeze %dma_wait3A_344 : memref<1x32x1024xf32, #tpu.memory_space<hbm>> -> memref<32x1024xf32, #tpu.memory_space<hbm>>
    %dma_wait3A_346 = arith.constant 1024 : i32
    %dma_wait3A_347 = tpu.memref_slice %arg3[%dma_wait3A_342, %add3A_239, %dma_wait3A_346] : memref<4x8192x2048xf32, #tpu.memory_space<hbm>> -> memref<1x32x1024xf32, #tpu.memory_space<hbm>>
    %dma_wait3A_348 = tpu.memref_squeeze %dma_wait3A_347 : memref<1x32x1024xf32, #tpu.memory_space<hbm>> -> memref<32x1024xf32, #tpu.memory_space<hbm>>
    tpu.wait_dma2 semaphore(%arg10 : memref<!tpu.dma_semaphore, #tpu.memory_space<semaphore_mem>>) src(%arg4 : memref<32x1024xf32, #tpu.memory_space<vmem>>) dst(%dma_wait3A_348 : memref<32x1024xf32, #tpu.memory_space<hbm>>)
    %add3A_349 = arith.constant 192 : i32
    %add3A_350 = arith.addi %mul3A_2, %add3A_349 : i32
    %dma_start3A_351 = arith.constant 0 : i32
    %dma_start3A_352 = tpu.memref_slice %arg2[%add3A_350, %dma_start3A_351] : memref<8192x1024xf32, #tpu.memory_space<hbm>> -> memref<32x1024xf32, #tpu.memory_space<hbm>>
    %dma_start3A_353 = arith.constant 0 : i32
    %dma_start3A_354 = tpu.memref_slice %arg2[%add3A_350, %dma_start3A_353] : memref<8192x1024xf32, #tpu.memory_space<hbm>> -> memref<32x1024xf32, #tpu.memory_space<hbm>>
    tpu.enqueue_dma source(%dma_start3A_354 : memref<32x1024xf32, #tpu.memory_space<hbm>>) target(%arg4 : memref<32x1024xf32, #tpu.memory_space<vmem>>) target_semaphore(%arg7 : memref<!tpu.dma_semaphore, #tpu.memory_space<semaphore_mem>>)
    %dma_wait3A_355 = arith.constant 0 : i32
    %dma_wait3A_356 = tpu.memref_slice %arg2[%add3A_276, %dma_wait3A_355] : memref<8192x1024xf32, #tpu.memory_space<hbm>> -> memref<32x1024xf32, #tpu.memory_space<hbm>>
    %dma_wait3A_357 = arith.constant 0 : i32
    %dma_wait3A_358 = tpu.memref_slice %arg2[%add3A_276, %dma_wait3A_357] : memref<8192x1024xf32, #tpu.memory_space<hbm>> -> memref<32x1024xf32, #tpu.memory_space<hbm>>
    tpu.wait_dma2 semaphore(%arg9 : memref<!tpu.dma_semaphore, #tpu.memory_space<semaphore_mem>>) src(%dma_wait3A_358 : memref<32x1024xf32, #tpu.memory_space<hbm>>) dst(%arg6 : memref<32x1024xf32, #tpu.memory_space<vmem>>)
    %add3A_359 = arith.constant 160 : i32
    %add3A_360 = arith.addi %mul3A_2, %add3A_359 : i32
    %dma_start3A_361 = arith.constant 0 : i32
    %dma_start3A_362 = arith.constant 1024 : i32
    %dma_start3A_363 = tpu.memref_slice %arg3[%dma_start3A_361, %add3A_360, %dma_start3A_362] : memref<4x8192x2048xf32, #tpu.memory_space<hbm>> -> memref<1x32x1024xf32, #tpu.memory_space<hbm>>
    %dma_start3A_364 = tpu.memref_squeeze %dma_start3A_363 : memref<1x32x1024xf32, #tpu.memory_space<hbm>> -> memref<32x1024xf32, #tpu.memory_space<hbm>>
    %dma_start3A_365 = arith.constant 1024 : i32
    %dma_start3A_366 = tpu.memref_slice %arg3[%dma_start3A_361, %add3A_360, %dma_start3A_365] : memref<4x8192x2048xf32, #tpu.memory_space<hbm>> -> memref<1x32x1024xf32, #tpu.memory_space<hbm>>
    %dma_start3A_367 = tpu.memref_squeeze %dma_start3A_366 : memref<1x32x1024xf32, #tpu.memory_space<hbm>> -> memref<32x1024xf32, #tpu.memory_space<hbm>>
    tpu.enqueue_dma source(%arg6 : memref<32x1024xf32, #tpu.memory_space<vmem>>) target(%dma_start3A_367 : memref<32x1024xf32, #tpu.memory_space<hbm>>) target_semaphore(%arg12 : memref<!tpu.dma_semaphore, #tpu.memory_space<semaphore_mem>>)
    %add3A_368 = arith.constant 160 : i32
    %add3A_369 = arith.addi %mul3A_2, %add3A_368 : i32
    %dma_start3A_370 = arith.constant 1 : i32
    %dma_start3A_371 = arith.constant 1024 : i32
    %dma_start3A_372 = tpu.memref_slice %arg3[%dma_start3A_370, %add3A_369, %dma_start3A_371] : memref<4x8192x2048xf32, #tpu.memory_space<hbm>> -> memref<1x32x1024xf32, #tpu.memory_space<hbm>>
    %dma_start3A_373 = tpu.memref_squeeze %dma_start3A_372 : memref<1x32x1024xf32, #tpu.memory_space<hbm>> -> memref<32x1024xf32, #tpu.memory_space<hbm>>
    %dma_start3A_374 = arith.constant 1024 : i32
    %dma_start3A_375 = tpu.memref_slice %arg3[%dma_start3A_370, %add3A_369, %dma_start3A_374] : memref<4x8192x2048xf32, #tpu.memory_space<hbm>> -> memref<1x32x1024xf32, #tpu.memory_space<hbm>>
    %dma_start3A_376 = tpu.memref_squeeze %dma_start3A_375 : memref<1x32x1024xf32, #tpu.memory_space<hbm>> -> memref<32x1024xf32, #tpu.memory_space<hbm>>
    tpu.enqueue_dma source(%arg6 : memref<32x1024xf32, #tpu.memory_space<vmem>>) target(%dma_start3A_376 : memref<32x1024xf32, #tpu.memory_space<hbm>>) target_semaphore(%arg12 : memref<!tpu.dma_semaphore, #tpu.memory_space<semaphore_mem>>)
    %add3A_377 = arith.constant 160 : i32
    %add3A_378 = arith.addi %mul3A_2, %add3A_377 : i32
    %dma_start3A_379 = arith.constant 2 : i32
    %dma_start3A_380 = arith.constant 1024 : i32
    %dma_start3A_381 = tpu.memref_slice %arg3[%dma_start3A_379, %add3A_378, %dma_start3A_380] : memref<4x8192x2048xf32, #tpu.memory_space<hbm>> -> memref<1x32x1024xf32, #tpu.memory_space<hbm>>
    %dma_start3A_382 = tpu.memref_squeeze %dma_start3A_381 : memref<1x32x1024xf32, #tpu.memory_space<hbm>> -> memref<32x1024xf32, #tpu.memory_space<hbm>>
    %dma_start3A_383 = arith.constant 1024 : i32
    %dma_start3A_384 = tpu.memref_slice %arg3[%dma_start3A_379, %add3A_378, %dma_start3A_383] : memref<4x8192x2048xf32, #tpu.memory_space<hbm>> -> memref<1x32x1024xf32, #tpu.memory_space<hbm>>
    %dma_start3A_385 = tpu.memref_squeeze %dma_start3A_384 : memref<1x32x1024xf32, #tpu.memory_space<hbm>> -> memref<32x1024xf32, #tpu.memory_space<hbm>>
    tpu.enqueue_dma source(%arg6 : memref<32x1024xf32, #tpu.memory_space<vmem>>) target(%dma_start3A_385 : memref<32x1024xf32, #tpu.memory_space<hbm>>) target_semaphore(%arg12 : memref<!tpu.dma_semaphore, #tpu.memory_space<semaphore_mem>>)
    %add3A_386 = arith.constant 160 : i32
    %add3A_387 = arith.addi %mul3A_2, %add3A_386 : i32
    %dma_start3A_388 = arith.constant 3 : i32
    %dma_start3A_389 = arith.constant 1024 : i32
    %dma_start3A_390 = tpu.memref_slice %arg3[%dma_start3A_388, %add3A_387, %dma_start3A_389] : memref<4x8192x2048xf32, #tpu.memory_space<hbm>> -> memref<1x32x1024xf32, #tpu.memory_space<hbm>>
    %dma_start3A_391 = tpu.memref_squeeze %dma_start3A_390 : memref<1x32x1024xf32, #tpu.memory_space<hbm>> -> memref<32x1024xf32, #tpu.memory_space<hbm>>
    %dma_start3A_392 = arith.constant 1024 : i32
    %dma_start3A_393 = tpu.memref_slice %arg3[%dma_start3A_388, %add3A_387, %dma_start3A_392] : memref<4x8192x2048xf32, #tpu.memory_space<hbm>> -> memref<1x32x1024xf32, #tpu.memory_space<hbm>>
    %dma_start3A_394 = tpu.memref_squeeze %dma_start3A_393 : memref<1x32x1024xf32, #tpu.memory_space<hbm>> -> memref<32x1024xf32, #tpu.memory_space<hbm>>
    tpu.enqueue_dma source(%arg6 : memref<32x1024xf32, #tpu.memory_space<vmem>>) target(%dma_start3A_394 : memref<32x1024xf32, #tpu.memory_space<hbm>>) target_semaphore(%arg12 : memref<!tpu.dma_semaphore, #tpu.memory_space<semaphore_mem>>)
    %dma_wait3A_395 = arith.constant 0 : i32
    %dma_wait3A_396 = arith.constant 1024 : i32
    %dma_wait3A_397 = tpu.memref_slice %arg3[%dma_wait3A_395, %add3A_286, %dma_wait3A_396] : memref<4x8192x2048xf32, #tpu.memory_space<hbm>> -> memref<1x32x1024xf32, #tpu.memory_space<hbm>>
    %dma_wait3A_398 = tpu.memref_squeeze %dma_wait3A_397 : memref<1x32x1024xf32, #tpu.memory_space<hbm>> -> memref<32x1024xf32, #tpu.memory_space<hbm>>
    %dma_wait3A_399 = arith.constant 1024 : i32
    %dma_wait3A_400 = tpu.memref_slice %arg3[%dma_wait3A_395, %add3A_286, %dma_wait3A_399] : memref<4x8192x2048xf32, #tpu.memory_space<hbm>> -> memref<1x32x1024xf32, #tpu.memory_space<hbm>>
    %dma_wait3A_401 = tpu.memref_squeeze %dma_wait3A_400 : memref<1x32x1024xf32, #tpu.memory_space<hbm>> -> memref<32x1024xf32, #tpu.memory_space<hbm>>
    tpu.wait_dma2 semaphore(%arg11 : memref<!tpu.dma_semaphore, #tpu.memory_space<semaphore_mem>>) src(%arg5 : memref<32x1024xf32, #tpu.memory_space<vmem>>) dst(%dma_wait3A_401 : memref<32x1024xf32, #tpu.memory_space<hbm>>)
    %dma_wait3A_402 = arith.constant 1 : i32
    %dma_wait3A_403 = arith.constant 1024 : i32
    %dma_wait3A_404 = tpu.memref_slice %arg3[%dma_wait3A_402, %add3A_295, %dma_wait3A_403] : memref<4x8192x2048xf32, #tpu.memory_space<hbm>> -> memref<1x32x1024xf32, #tpu.memory_space<hbm>>
    %dma_wait3A_405 = tpu.memref_squeeze %dma_wait3A_404 : memref<1x32x1024xf32, #tpu.memory_space<hbm>> -> memref<32x1024xf32, #tpu.memory_space<hbm>>
    %dma_wait3A_406 = arith.constant 1024 : i32
    %dma_wait3A_407 = tpu.memref_slice %arg3[%dma_wait3A_402, %add3A_295, %dma_wait3A_406] : memref<4x8192x2048xf32, #tpu.memory_space<hbm>> -> memref<1x32x1024xf32, #tpu.memory_space<hbm>>
    %dma_wait3A_408 = tpu.memref_squeeze %dma_wait3A_407 : memref<1x32x1024xf32, #tpu.memory_space<hbm>> -> memref<32x1024xf32, #tpu.memory_space<hbm>>
    tpu.wait_dma2 semaphore(%arg11 : memref<!tpu.dma_semaphore, #tpu.memory_space<semaphore_mem>>) src(%arg5 : memref<32x1024xf32, #tpu.memory_space<vmem>>) dst(%dma_wait3A_408 : memref<32x1024xf32, #tpu.memory_space<hbm>>)
    %dma_wait3A_409 = arith.constant 2 : i32
    %dma_wait3A_410 = arith.constant 1024 : i32
    %dma_wait3A_411 = tpu.memref_slice %arg3[%dma_wait3A_409, %add3A_304, %dma_wait3A_410] : memref<4x8192x2048xf32, #tpu.memory_space<hbm>> -> memref<1x32x1024xf32, #tpu.memory_space<hbm>>
    %dma_wait3A_412 = tpu.memref_squeeze %dma_wait3A_411 : memref<1x32x1024xf32, #tpu.memory_space<hbm>> -> memref<32x1024xf32, #tpu.memory_space<hbm>>
    %dma_wait3A_413 = arith.constant 1024 : i32
    %dma_wait3A_414 = tpu.memref_slice %arg3[%dma_wait3A_409, %add3A_304, %dma_wait3A_413] : memref<4x8192x2048xf32, #tpu.memory_space<hbm>> -> memref<1x32x1024xf32, #tpu.memory_space<hbm>>
    %dma_wait3A_415 = tpu.memref_squeeze %dma_wait3A_414 : memref<1x32x1024xf32, #tpu.memory_space<hbm>> -> memref<32x1024xf32, #tpu.memory_space<hbm>>
    tpu.wait_dma2 semaphore(%arg11 : memref<!tpu.dma_semaphore, #tpu.memory_space<semaphore_mem>>) src(%arg5 : memref<32x1024xf32, #tpu.memory_space<vmem>>) dst(%dma_wait3A_415 : memref<32x1024xf32, #tpu.memory_space<hbm>>)
    %dma_wait3A_416 = arith.constant 3 : i32
    %dma_wait3A_417 = arith.constant 1024 : i32
    %dma_wait3A_418 = tpu.memref_slice %arg3[%dma_wait3A_416, %add3A_313, %dma_wait3A_417] : memref<4x8192x2048xf32, #tpu.memory_space<hbm>> -> memref<1x32x1024xf32, #tpu.memory_space<hbm>>
    %dma_wait3A_419 = tpu.memref_squeeze %dma_wait3A_418 : memref<1x32x1024xf32, #tpu.memory_space<hbm>> -> memref<32x1024xf32, #tpu.memory_space<hbm>>
    %dma_wait3A_420 = arith.constant 1024 : i32
    %dma_wait3A_421 = tpu.memref_slice %arg3[%dma_wait3A_416, %add3A_313, %dma_wait3A_420] : memref<4x8192x2048xf32, #tpu.memory_space<hbm>> -> memref<1x32x1024xf32, #tpu.memory_space<hbm>>
    %dma_wait3A_422 = tpu.memref_squeeze %dma_wait3A_421 : memref<1x32x1024xf32, #tpu.memory_space<hbm>> -> memref<32x1024xf32, #tpu.memory_space<hbm>>
    tpu.wait_dma2 semaphore(%arg11 : memref<!tpu.dma_semaphore, #tpu.memory_space<semaphore_mem>>) src(%arg5 : memref<32x1024xf32, #tpu.memory_space<vmem>>) dst(%dma_wait3A_422 : memref<32x1024xf32, #tpu.memory_space<hbm>>)
    %add3A_423 = arith.constant 224 : i32
    %add3A_424 = arith.addi %mul3A_2, %add3A_423 : i32
    %dma_start3A_425 = arith.constant 0 : i32
    %dma_start3A_426 = tpu.memref_slice %arg2[%add3A_424, %dma_start3A_425] : memref<8192x1024xf32, #tpu.memory_space<hbm>> -> memref<32x1024xf32, #tpu.memory_space<hbm>>
    %dma_start3A_427 = arith.constant 0 : i32
    %dma_start3A_428 = tpu.memref_slice %arg2[%add3A_424, %dma_start3A_427] : memref<8192x1024xf32, #tpu.memory_space<hbm>> -> memref<32x1024xf32, #tpu.memory_space<hbm>>
    tpu.enqueue_dma source(%dma_start3A_428 : memref<32x1024xf32, #tpu.memory_space<hbm>>) target(%arg5 : memref<32x1024xf32, #tpu.memory_space<vmem>>) target_semaphore(%arg8 : memref<!tpu.dma_semaphore, #tpu.memory_space<semaphore_mem>>)
    %dma_wait3A_429 = arith.constant 0 : i32
    %dma_wait3A_430 = tpu.memref_slice %arg2[%add3A_350, %dma_wait3A_429] : memref<8192x1024xf32, #tpu.memory_space<hbm>> -> memref<32x1024xf32, #tpu.memory_space<hbm>>
    %dma_wait3A_431 = arith.constant 0 : i32
    %dma_wait3A_432 = tpu.memref_slice %arg2[%add3A_350, %dma_wait3A_431] : memref<8192x1024xf32, #tpu.memory_space<hbm>> -> memref<32x1024xf32, #tpu.memory_space<hbm>>
    tpu.wait_dma2 semaphore(%arg7 : memref<!tpu.dma_semaphore, #tpu.memory_space<semaphore_mem>>) src(%dma_wait3A_432 : memref<32x1024xf32, #tpu.memory_space<hbm>>) dst(%arg4 : memref<32x1024xf32, #tpu.memory_space<vmem>>)
    %add3A_433 = arith.constant 192 : i32
    %add3A_434 = arith.addi %mul3A_2, %add3A_433 : i32
    %dma_start3A_435 = arith.constant 0 : i32
    %dma_start3A_436 = arith.constant 1024 : i32
    %dma_start3A_437 = tpu.memref_slice %arg3[%dma_start3A_435, %add3A_434, %dma_start3A_436] : memref<4x8192x2048xf32, #tpu.memory_space<hbm>> -> memref<1x32x1024xf32, #tpu.memory_space<hbm>>
    %dma_start3A_438 = tpu.memref_squeeze %dma_start3A_437 : memref<1x32x1024xf32, #tpu.memory_space<hbm>> -> memref<32x1024xf32, #tpu.memory_space<hbm>>
    %dma_start3A_439 = arith.constant 1024 : i32
    %dma_start3A_440 = tpu.memref_slice %arg3[%dma_start3A_435, %add3A_434, %dma_start3A_439] : memref<4x8192x2048xf32, #tpu.memory_space<hbm>> -> memref<1x32x1024xf32, #tpu.memory_space<hbm>>
    %dma_start3A_441 = tpu.memref_squeeze %dma_start3A_440 : memref<1x32x1024xf32, #tpu.memory_space<hbm>> -> memref<32x1024xf32, #tpu.memory_space<hbm>>
    tpu.enqueue_dma source(%arg4 : memref<32x1024xf32, #tpu.memory_space<vmem>>) target(%dma_start3A_441 : memref<32x1024xf32, #tpu.memory_space<hbm>>) target_semaphore(%arg10 : memref<!tpu.dma_semaphore, #tpu.memory_space<semaphore_mem>>)
    %add3A_442 = arith.constant 192 : i32
    %add3A_443 = arith.addi %mul3A_2, %add3A_442 : i32
    %dma_start3A_444 = arith.constant 1 : i32
    %dma_start3A_445 = arith.constant 1024 : i32
    %dma_start3A_446 = tpu.memref_slice %arg3[%dma_start3A_444, %add3A_443, %dma_start3A_445] : memref<4x8192x2048xf32, #tpu.memory_space<hbm>> -> memref<1x32x1024xf32, #tpu.memory_space<hbm>>
    %dma_start3A_447 = tpu.memref_squeeze %dma_start3A_446 : memref<1x32x1024xf32, #tpu.memory_space<hbm>> -> memref<32x1024xf32, #tpu.memory_space<hbm>>
    %dma_start3A_448 = arith.constant 1024 : i32
    %dma_start3A_449 = tpu.memref_slice %arg3[%dma_start3A_444, %add3A_443, %dma_start3A_448] : memref<4x8192x2048xf32, #tpu.memory_space<hbm>> -> memref<1x32x1024xf32, #tpu.memory_space<hbm>>
    %dma_start3A_450 = tpu.memref_squeeze %dma_start3A_449 : memref<1x32x1024xf32, #tpu.memory_space<hbm>> -> memref<32x1024xf32, #tpu.memory_space<hbm>>
    tpu.enqueue_dma source(%arg4 : memref<32x1024xf32, #tpu.memory_space<vmem>>) target(%dma_start3A_450 : memref<32x1024xf32, #tpu.memory_space<hbm>>) target_semaphore(%arg10 : memref<!tpu.dma_semaphore, #tpu.memory_space<semaphore_mem>>)
    %add3A_451 = arith.constant 192 : i32
    %add3A_452 = arith.addi %mul3A_2, %add3A_451 : i32
    %dma_start3A_453 = arith.constant 2 : i32
    %dma_start3A_454 = arith.constant 1024 : i32
    %dma_start3A_455 = tpu.memref_slice %arg3[%dma_start3A_453, %add3A_452, %dma_start3A_454] : memref<4x8192x2048xf32, #tpu.memory_space<hbm>> -> memref<1x32x1024xf32, #tpu.memory_space<hbm>>
    %dma_start3A_456 = tpu.memref_squeeze %dma_start3A_455 : memref<1x32x1024xf32, #tpu.memory_space<hbm>> -> memref<32x1024xf32, #tpu.memory_space<hbm>>
    %dma_start3A_457 = arith.constant 1024 : i32
    %dma_start3A_458 = tpu.memref_slice %arg3[%dma_start3A_453, %add3A_452, %dma_start3A_457] : memref<4x8192x2048xf32, #tpu.memory_space<hbm>> -> memref<1x32x1024xf32, #tpu.memory_space<hbm>>
    %dma_start3A_459 = tpu.memref_squeeze %dma_start3A_458 : memref<1x32x1024xf32, #tpu.memory_space<hbm>> -> memref<32x1024xf32, #tpu.memory_space<hbm>>
    tpu.enqueue_dma source(%arg4 : memref<32x1024xf32, #tpu.memory_space<vmem>>) target(%dma_start3A_459 : memref<32x1024xf32, #tpu.memory_space<hbm>>) target_semaphore(%arg10 : memref<!tpu.dma_semaphore, #tpu.memory_space<semaphore_mem>>)
    %add3A_460 = arith.constant 192 : i32
    %add3A_461 = arith.addi %mul3A_2, %add3A_460 : i32
    %dma_start3A_462 = arith.constant 3 : i32
    %dma_start3A_463 = arith.constant 1024 : i32
    %dma_start3A_464 = tpu.memref_slice %arg3[%dma_start3A_462, %add3A_461, %dma_start3A_463] : memref<4x8192x2048xf32, #tpu.memory_space<hbm>> -> memref<1x32x1024xf32, #tpu.memory_space<hbm>>
    %dma_start3A_465 = tpu.memref_squeeze %dma_start3A_464 : memref<1x32x1024xf32, #tpu.memory_space<hbm>> -> memref<32x1024xf32, #tpu.memory_space<hbm>>
    %dma_start3A_466 = arith.constant 1024 : i32
    %dma_start3A_467 = tpu.memref_slice %arg3[%dma_start3A_462, %add3A_461, %dma_start3A_466] : memref<4x8192x2048xf32, #tpu.memory_space<hbm>> -> memref<1x32x1024xf32, #tpu.memory_space<hbm>>
    %dma_start3A_468 = tpu.memref_squeeze %dma_start3A_467 : memref<1x32x1024xf32, #tpu.memory_space<hbm>> -> memref<32x1024xf32, #tpu.memory_space<hbm>>
    tpu.enqueue_dma source(%arg4 : memref<32x1024xf32, #tpu.memory_space<vmem>>) target(%dma_start3A_468 : memref<32x1024xf32, #tpu.memory_space<hbm>>) target_semaphore(%arg10 : memref<!tpu.dma_semaphore, #tpu.memory_space<semaphore_mem>>)
    %dma_wait3A_469 = arith.constant 0 : i32
    %dma_wait3A_470 = tpu.memref_slice %arg2[%add3A_424, %dma_wait3A_469] : memref<8192x1024xf32, #tpu.memory_space<hbm>> -> memref<32x1024xf32, #tpu.memory_space<hbm>>
    %dma_wait3A_471 = arith.constant 0 : i32
    %dma_wait3A_472 = tpu.memref_slice %arg2[%add3A_424, %dma_wait3A_471] : memref<8192x1024xf32, #tpu.memory_space<hbm>> -> memref<32x1024xf32, #tpu.memory_space<hbm>>
    tpu.wait_dma2 semaphore(%arg8 : memref<!tpu.dma_semaphore, #tpu.memory_space<semaphore_mem>>) src(%dma_wait3A_472 : memref<32x1024xf32, #tpu.memory_space<hbm>>) dst(%arg5 : memref<32x1024xf32, #tpu.memory_space<vmem>>)
    %add3A_473 = arith.constant 224 : i32
    %add3A_474 = arith.addi %mul3A_2, %add3A_473 : i32
    %dma_start3A_475 = arith.constant 0 : i32
    %dma_start3A_476 = arith.constant 1024 : i32
    %dma_start3A_477 = tpu.memref_slice %arg3[%dma_start3A_475, %add3A_474, %dma_start3A_476] : memref<4x8192x2048xf32, #tpu.memory_space<hbm>> -> memref<1x32x1024xf32, #tpu.memory_space<hbm>>
    %dma_start3A_478 = tpu.memref_squeeze %dma_start3A_477 : memref<1x32x1024xf32, #tpu.memory_space<hbm>> -> memref<32x1024xf32, #tpu.memory_space<hbm>>
    %dma_start3A_479 = arith.constant 1024 : i32
    %dma_start3A_480 = tpu.memref_slice %arg3[%dma_start3A_475, %add3A_474, %dma_start3A_479] : memref<4x8192x2048xf32, #tpu.memory_space<hbm>> -> memref<1x32x1024xf32, #tpu.memory_space<hbm>>
    %dma_start3A_481 = tpu.memref_squeeze %dma_start3A_480 : memref<1x32x1024xf32, #tpu.memory_space<hbm>> -> memref<32x1024xf32, #tpu.memory_space<hbm>>
    tpu.enqueue_dma source(%arg5 : memref<32x1024xf32, #tpu.memory_space<vmem>>) target(%dma_start3A_481 : memref<32x1024xf32, #tpu.memory_space<hbm>>) target_semaphore(%arg11 : memref<!tpu.dma_semaphore, #tpu.memory_space<semaphore_mem>>)
    %add3A_482 = arith.constant 224 : i32
    %add3A_483 = arith.addi %mul3A_2, %add3A_482 : i32
    %dma_start3A_484 = arith.constant 1 : i32
    %dma_start3A_485 = arith.constant 1024 : i32
    %dma_start3A_486 = tpu.memref_slice %arg3[%dma_start3A_484, %add3A_483, %dma_start3A_485] : memref<4x8192x2048xf32, #tpu.memory_space<hbm>> -> memref<1x32x1024xf32, #tpu.memory_space<hbm>>
    %dma_start3A_487 = tpu.memref_squeeze %dma_start3A_486 : memref<1x32x1024xf32, #tpu.memory_space<hbm>> -> memref<32x1024xf32, #tpu.memory_space<hbm>>
    %dma_start3A_488 = arith.constant 1024 : i32
    %dma_start3A_489 = tpu.memref_slice %arg3[%dma_start3A_484, %add3A_483, %dma_start3A_488] : memref<4x8192x2048xf32, #tpu.memory_space<hbm>> -> memref<1x32x1024xf32, #tpu.memory_space<hbm>>
    %dma_start3A_490 = tpu.memref_squeeze %dma_start3A_489 : memref<1x32x1024xf32, #tpu.memory_space<hbm>> -> memref<32x1024xf32, #tpu.memory_space<hbm>>
    tpu.enqueue_dma source(%arg5 : memref<32x1024xf32, #tpu.memory_space<vmem>>) target(%dma_start3A_490 : memref<32x1024xf32, #tpu.memory_space<hbm>>) target_semaphore(%arg11 : memref<!tpu.dma_semaphore, #tpu.memory_space<semaphore_mem>>)
    %add3A_491 = arith.constant 224 : i32
    %add3A_492 = arith.addi %mul3A_2, %add3A_491 : i32
    %dma_start3A_493 = arith.constant 2 : i32
    %dma_start3A_494 = arith.constant 1024 : i32
    %dma_start3A_495 = tpu.memref_slice %arg3[%dma_start3A_493, %add3A_492, %dma_start3A_494] : memref<4x8192x2048xf32, #tpu.memory_space<hbm>> -> memref<1x32x1024xf32, #tpu.memory_space<hbm>>
    %dma_start3A_496 = tpu.memref_squeeze %dma_start3A_495 : memref<1x32x1024xf32, #tpu.memory_space<hbm>> -> memref<32x1024xf32, #tpu.memory_space<hbm>>
    %dma_start3A_497 = arith.constant 1024 : i32
    %dma_start3A_498 = tpu.memref_slice %arg3[%dma_start3A_493, %add3A_492, %dma_start3A_497] : memref<4x8192x2048xf32, #tpu.memory_space<hbm>> -> memref<1x32x1024xf32, #tpu.memory_space<hbm>>
    %dma_start3A_499 = tpu.memref_squeeze %dma_start3A_498 : memref<1x32x1024xf32, #tpu.memory_space<hbm>> -> memref<32x1024xf32, #tpu.memory_space<hbm>>
    tpu.enqueue_dma source(%arg5 : memref<32x1024xf32, #tpu.memory_space<vmem>>) target(%dma_start3A_499 : memref<32x1024xf32, #tpu.memory_space<hbm>>) target_semaphore(%arg11 : memref<!tpu.dma_semaphore, #tpu.memory_space<semaphore_mem>>)
    %add3A_500 = arith.constant 224 : i32
    %add3A_501 = arith.addi %mul3A_2, %add3A_500 : i32
    %dma_start3A_502 = arith.constant 3 : i32
    %dma_start3A_503 = arith.constant 1024 : i32
    %dma_start3A_504 = tpu.memref_slice %arg3[%dma_start3A_502, %add3A_501, %dma_start3A_503] : memref<4x8192x2048xf32, #tpu.memory_space<hbm>> -> memref<1x32x1024xf32, #tpu.memory_space<hbm>>
    %dma_start3A_505 = tpu.memref_squeeze %dma_start3A_504 : memref<1x32x1024xf32, #tpu.memory_space<hbm>> -> memref<32x1024xf32, #tpu.memory_space<hbm>>
    %dma_start3A_506 = arith.constant 1024 : i32
    %dma_start3A_507 = tpu.memref_slice %arg3[%dma_start3A_502, %add3A_501, %dma_start3A_506] : memref<4x8192x2048xf32, #tpu.memory_space<hbm>> -> memref<1x32x1024xf32, #tpu.memory_space<hbm>>
    %dma_start3A_508 = tpu.memref_squeeze %dma_start3A_507 : memref<1x32x1024xf32, #tpu.memory_space<hbm>> -> memref<32x1024xf32, #tpu.memory_space<hbm>>
    tpu.enqueue_dma source(%arg5 : memref<32x1024xf32, #tpu.memory_space<vmem>>) target(%dma_start3A_508 : memref<32x1024xf32, #tpu.memory_space<hbm>>) target_semaphore(%arg11 : memref<!tpu.dma_semaphore, #tpu.memory_space<semaphore_mem>>)
    %dma_wait3A_509 = arith.constant 0 : i32
    %dma_wait3A_510 = arith.constant 1024 : i32
    %dma_wait3A_511 = tpu.memref_slice %arg3[%dma_wait3A_509, %add3A_434, %dma_wait3A_510] : memref<4x8192x2048xf32, #tpu.memory_space<hbm>> -> memref<1x32x1024xf32, #tpu.memory_space<hbm>>
    %dma_wait3A_512 = tpu.memref_squeeze %dma_wait3A_511 : memref<1x32x1024xf32, #tpu.memory_space<hbm>> -> memref<32x1024xf32, #tpu.memory_space<hbm>>
    %dma_wait3A_513 = arith.constant 1024 : i32
    %dma_wait3A_514 = tpu.memref_slice %arg3[%dma_wait3A_509, %add3A_434, %dma_wait3A_513] : memref<4x8192x2048xf32, #tpu.memory_space<hbm>> -> memref<1x32x1024xf32, #tpu.memory_space<hbm>>
    %dma_wait3A_515 = tpu.memref_squeeze %dma_wait3A_514 : memref<1x32x1024xf32, #tpu.memory_space<hbm>> -> memref<32x1024xf32, #tpu.memory_space<hbm>>
    tpu.wait_dma2 semaphore(%arg10 : memref<!tpu.dma_semaphore, #tpu.memory_space<semaphore_mem>>) src(%arg4 : memref<32x1024xf32, #tpu.memory_space<vmem>>) dst(%dma_wait3A_515 : memref<32x1024xf32, #tpu.memory_space<hbm>>)
    %dma_wait3A_516 = arith.constant 1 : i32
    %dma_wait3A_517 = arith.constant 1024 : i32
    %dma_wait3A_518 = tpu.memref_slice %arg3[%dma_wait3A_516, %add3A_443, %dma_wait3A_517] : memref<4x8192x2048xf32, #tpu.memory_space<hbm>> -> memref<1x32x1024xf32, #tpu.memory_space<hbm>>
    %dma_wait3A_519 = tpu.memref_squeeze %dma_wait3A_518 : memref<1x32x1024xf32, #tpu.memory_space<hbm>> -> memref<32x1024xf32, #tpu.memory_space<hbm>>
    %dma_wait3A_520 = arith.constant 1024 : i32
    %dma_wait3A_521 = tpu.memref_slice %arg3[%dma_wait3A_516, %add3A_443, %dma_wait3A_520] : memref<4x8192x2048xf32, #tpu.memory_space<hbm>> -> memref<1x32x1024xf32, #tpu.memory_space<hbm>>
    %dma_wait3A_522 = tpu.memref_squeeze %dma_wait3A_521 : memref<1x32x1024xf32, #tpu.memory_space<hbm>> -> memref<32x1024xf32, #tpu.memory_space<hbm>>
    tpu.wait_dma2 semaphore(%arg10 : memref<!tpu.dma_semaphore, #tpu.memory_space<semaphore_mem>>) src(%arg4 : memref<32x1024xf32, #tpu.memory_space<vmem>>) dst(%dma_wait3A_522 : memref<32x1024xf32, #tpu.memory_space<hbm>>)
    %dma_wait3A_523 = arith.constant 2 : i32
    %dma_wait3A_524 = arith.constant 1024 : i32
    %dma_wait3A_525 = tpu.memref_slice %arg3[%dma_wait3A_523, %add3A_452, %dma_wait3A_524] : memref<4x8192x2048xf32, #tpu.memory_space<hbm>> -> memref<1x32x1024xf32, #tpu.memory_space<hbm>>
    %dma_wait3A_526 = tpu.memref_squeeze %dma_wait3A_525 : memref<1x32x1024xf32, #tpu.memory_space<hbm>> -> memref<32x1024xf32, #tpu.memory_space<hbm>>
    %dma_wait3A_527 = arith.constant 1024 : i32
    %dma_wait3A_528 = tpu.memref_slice %arg3[%dma_wait3A_523, %add3A_452, %dma_wait3A_527] : memref<4x8192x2048xf32, #tpu.memory_space<hbm>> -> memref<1x32x1024xf32, #tpu.memory_space<hbm>>
    %dma_wait3A_529 = tpu.memref_squeeze %dma_wait3A_528 : memref<1x32x1024xf32, #tpu.memory_space<hbm>> -> memref<32x1024xf32, #tpu.memory_space<hbm>>
    tpu.wait_dma2 semaphore(%arg10 : memref<!tpu.dma_semaphore, #tpu.memory_space<semaphore_mem>>) src(%arg4 : memref<32x1024xf32, #tpu.memory_space<vmem>>) dst(%dma_wait3A_529 : memref<32x1024xf32, #tpu.memory_space<hbm>>)
    %dma_wait3A_530 = arith.constant 3 : i32
    %dma_wait3A_531 = arith.constant 1024 : i32
    %dma_wait3A_532 = tpu.memref_slice %arg3[%dma_wait3A_530, %add3A_461, %dma_wait3A_531] : memref<4x8192x2048xf32, #tpu.memory_space<hbm>> -> memref<1x32x1024xf32, #tpu.memory_space<hbm>>
    %dma_wait3A_533 = tpu.memref_squeeze %dma_wait3A_532 : memref<1x32x1024xf32, #tpu.memory_space<hbm>> -> memref<32x1024xf32, #tpu.memory_space<hbm>>
    %dma_wait3A_534 = arith.constant 1024 : i32
    %dma_wait3A_535 = tpu.memref_slice %arg3[%dma_wait3A_530, %add3A_461, %dma_wait3A_534] : memref<4x8192x2048xf32, #tpu.memory_space<hbm>> -> memref<1x32x1024xf32, #tpu.memory_space<hbm>>
    %dma_wait3A_536 = tpu.memref_squeeze %dma_wait3A_535 : memref<1x32x1024xf32, #tpu.memory_space<hbm>> -> memref<32x1024xf32, #tpu.memory_space<hbm>>
    tpu.wait_dma2 semaphore(%arg10 : memref<!tpu.dma_semaphore, #tpu.memory_space<semaphore_mem>>) src(%arg4 : memref<32x1024xf32, #tpu.memory_space<vmem>>) dst(%dma_wait3A_536 : memref<32x1024xf32, #tpu.memory_space<hbm>>)
    %dma_wait3A_537 = arith.constant 0 : i32
    %dma_wait3A_538 = arith.constant 1024 : i32
    %dma_wait3A_539 = tpu.memref_slice %arg3[%dma_wait3A_537, %add3A_474, %dma_wait3A_538] : memref<4x8192x2048xf32, #tpu.memory_space<hbm>> -> memref<1x32x1024xf32, #tpu.memory_space<hbm>>
    %dma_wait3A_540 = tpu.memref_squeeze %dma_wait3A_539 : memref<1x32x1024xf32, #tpu.memory_space<hbm>> -> memref<32x1024xf32, #tpu.memory_space<hbm>>
    %dma_wait3A_541 = arith.constant 1024 : i32
    %dma_wait3A_542 = tpu.memref_slice %arg3[%dma_wait3A_537, %add3A_474, %dma_wait3A_541] : memref<4x8192x2048xf32, #tpu.memory_space<hbm>> -> memref<1x32x1024xf32, #tpu.memory_space<hbm>>
    %dma_wait3A_543 = tpu.memref_squeeze %dma_wait3A_542 : memref<1x32x1024xf32, #tpu.memory_space<hbm>> -> memref<32x1024xf32, #tpu.memory_space<hbm>>
    tpu.wait_dma2 semaphore(%arg11 : memref<!tpu.dma_semaphore, #tpu.memory_space<semaphore_mem>>) src(%arg5 : memref<32x1024xf32, #tpu.memory_space<vmem>>) dst(%dma_wait3A_543 : memref<32x1024xf32, #tpu.memory_space<hbm>>)
    %dma_wait3A_544 = arith.constant 1 : i32
    %dma_wait3A_545 = arith.constant 1024 : i32
    %dma_wait3A_546 = tpu.memref_slice %arg3[%dma_wait3A_544, %add3A_483, %dma_wait3A_545] : memref<4x8192x2048xf32, #tpu.memory_space<hbm>> -> memref<1x32x1024xf32, #tpu.memory_space<hbm>>
    %dma_wait3A_547 = tpu.memref_squeeze %dma_wait3A_546 : memref<1x32x1024xf32, #tpu.memory_space<hbm>> -> memref<32x1024xf32, #tpu.memory_space<hbm>>
    %dma_wait3A_548 = arith.constant 1024 : i32
    %dma_wait3A_549 = tpu.memref_slice %arg3[%dma_wait3A_544, %add3A_483, %dma_wait3A_548] : memref<4x8192x2048xf32, #tpu.memory_space<hbm>> -> memref<1x32x1024xf32, #tpu.memory_space<hbm>>
    %dma_wait3A_550 = tpu.memref_squeeze %dma_wait3A_549 : memref<1x32x1024xf32, #tpu.memory_space<hbm>> -> memref<32x1024xf32, #tpu.memory_space<hbm>>
    tpu.wait_dma2 semaphore(%arg11 : memref<!tpu.dma_semaphore, #tpu.memory_space<semaphore_mem>>) src(%arg5 : memref<32x1024xf32, #tpu.memory_space<vmem>>) dst(%dma_wait3A_550 : memref<32x1024xf32, #tpu.memory_space<hbm>>)
    %dma_wait3A_551 = arith.constant 2 : i32
    %dma_wait3A_552 = arith.constant 1024 : i32
    %dma_wait3A_553 = tpu.memref_slice %arg3[%dma_wait3A_551, %add3A_492, %dma_wait3A_552] : memref<4x8192x2048xf32, #tpu.memory_space<hbm>> -> memref<1x32x1024xf32, #tpu.memory_space<hbm>>
    %dma_wait3A_554 = tpu.memref_squeeze %dma_wait3A_553 : memref<1x32x1024xf32, #tpu.memory_space<hbm>> -> memref<32x1024xf32, #tpu.memory_space<hbm>>
    %dma_wait3A_555 = arith.constant 1024 : i32
    %dma_wait3A_556 = tpu.memref_slice %arg3[%dma_wait3A_551, %add3A_492, %dma_wait3A_555] : memref<4x8192x2048xf32, #tpu.memory_space<hbm>> -> memref<1x32x1024xf32, #tpu.memory_space<hbm>>
    %dma_wait3A_557 = tpu.memref_squeeze %dma_wait3A_556 : memref<1x32x1024xf32, #tpu.memory_space<hbm>> -> memref<32x1024xf32, #tpu.memory_space<hbm>>
    tpu.wait_dma2 semaphore(%arg11 : memref<!tpu.dma_semaphore, #tpu.memory_space<semaphore_mem>>) src(%arg5 : memref<32x1024xf32, #tpu.memory_space<vmem>>) dst(%dma_wait3A_557 : memref<32x1024xf32, #tpu.memory_space<hbm>>)
    %dma_wait3A_558 = arith.constant 3 : i32
    %dma_wait3A_559 = arith.constant 1024 : i32
    %dma_wait3A_560 = tpu.memref_slice %arg3[%dma_wait3A_558, %add3A_501, %dma_wait3A_559] : memref<4x8192x2048xf32, #tpu.memory_space<hbm>> -> memref<1x32x1024xf32, #tpu.memory_space<hbm>>
    %dma_wait3A_561 = tpu.memref_squeeze %dma_wait3A_560 : memref<1x32x1024xf32, #tpu.memory_space<hbm>> -> memref<32x1024xf32, #tpu.memory_space<hbm>>
    %dma_wait3A_562 = arith.constant 1024 : i32
    %dma_wait3A_563 = tpu.memref_slice %arg3[%dma_wait3A_558, %add3A_501, %dma_wait3A_562] : memref<4x8192x2048xf32, #tpu.memory_space<hbm>> -> memref<1x32x1024xf32, #tpu.memory_space<hbm>>
    %dma_wait3A_564 = tpu.memref_squeeze %dma_wait3A_563 : memref<1x32x1024xf32, #tpu.memory_space<hbm>> -> memref<32x1024xf32, #tpu.memory_space<hbm>>
    tpu.wait_dma2 semaphore(%arg11 : memref<!tpu.dma_semaphore, #tpu.memory_space<semaphore_mem>>) src(%arg5 : memref<32x1024xf32, #tpu.memory_space<vmem>>) dst(%dma_wait3A_564 : memref<32x1024xf32, #tpu.memory_space<hbm>>)
    %dma_wait3A_565 = arith.constant 0 : i32
    %dma_wait3A_566 = arith.constant 1024 : i32
    %dma_wait3A_567 = tpu.memref_slice %arg3[%dma_wait3A_565, %add3A_360, %dma_wait3A_566] : memref<4x8192x2048xf32, #tpu.memory_space<hbm>> -> memref<1x32x1024xf32, #tpu.memory_space<hbm>>
    %dma_wait3A_568 = tpu.memref_squeeze %dma_wait3A_567 : memref<1x32x1024xf32, #tpu.memory_space<hbm>> -> memref<32x1024xf32, #tpu.memory_space<hbm>>
    %dma_wait3A_569 = arith.constant 1024 : i32
    %dma_wait3A_570 = tpu.memref_slice %arg3[%dma_wait3A_565, %add3A_360, %dma_wait3A_569] : memref<4x8192x2048xf32, #tpu.memory_space<hbm>> -> memref<1x32x1024xf32, #tpu.memory_space<hbm>>
    %dma_wait3A_571 = tpu.memref_squeeze %dma_wait3A_570 : memref<1x32x1024xf32, #tpu.memory_space<hbm>> -> memref<32x1024xf32, #tpu.memory_space<hbm>>
    tpu.wait_dma2 semaphore(%arg12 : memref<!tpu.dma_semaphore, #tpu.memory_space<semaphore_mem>>) src(%arg6 : memref<32x1024xf32, #tpu.memory_space<vmem>>) dst(%dma_wait3A_571 : memref<32x1024xf32, #tpu.memory_space<hbm>>)
    %dma_wait3A_572 = arith.constant 1 : i32
    %dma_wait3A_573 = arith.constant 1024 : i32
    %dma_wait3A_574 = tpu.memref_slice %arg3[%dma_wait3A_572, %add3A_369, %dma_wait3A_573] : memref<4x8192x2048xf32, #tpu.memory_space<hbm>> -> memref<1x32x1024xf32, #tpu.memory_space<hbm>>
    %dma_wait3A_575 = tpu.memref_squeeze %dma_wait3A_574 : memref<1x32x1024xf32, #tpu.memory_space<hbm>> -> memref<32x1024xf32, #tpu.memory_space<hbm>>
    %dma_wait3A_576 = arith.constant 1024 : i32
    %dma_wait3A_577 = tpu.memref_slice %arg3[%dma_wait3A_572, %add3A_369, %dma_wait3A_576] : memref<4x8192x2048xf32, #tpu.memory_space<hbm>> -> memref<1x32x1024xf32, #tpu.memory_space<hbm>>
    %dma_wait3A_578 = tpu.memref_squeeze %dma_wait3A_577 : memref<1x32x1024xf32, #tpu.memory_space<hbm>> -> memref<32x1024xf32, #tpu.memory_space<hbm>>
    tpu.wait_dma2 semaphore(%arg12 : memref<!tpu.dma_semaphore, #tpu.memory_space<semaphore_mem>>) src(%arg6 : memref<32x1024xf32, #tpu.memory_space<vmem>>) dst(%dma_wait3A_578 : memref<32x1024xf32, #tpu.memory_space<hbm>>)
    %dma_wait3A_579 = arith.constant 2 : i32
    %dma_wait3A_580 = arith.constant 1024 : i32
    %dma_wait3A_581 = tpu.memref_slice %arg3[%dma_wait3A_579, %add3A_378, %dma_wait3A_580] : memref<4x8192x2048xf32, #tpu.memory_space<hbm>> -> memref<1x32x1024xf32, #tpu.memory_space<hbm>>
    %dma_wait3A_582 = tpu.memref_squeeze %dma_wait3A_581 : memref<1x32x1024xf32, #tpu.memory_space<hbm>> -> memref<32x1024xf32, #tpu.memory_space<hbm>>
    %dma_wait3A_583 = arith.constant 1024 : i32
    %dma_wait3A_584 = tpu.memref_slice %arg3[%dma_wait3A_579, %add3A_378, %dma_wait3A_583] : memref<4x8192x2048xf32, #tpu.memory_space<hbm>> -> memref<1x32x1024xf32, #tpu.memory_space<hbm>>
    %dma_wait3A_585 = tpu.memref_squeeze %dma_wait3A_584 : memref<1x32x1024xf32, #tpu.memory_space<hbm>> -> memref<32x1024xf32, #tpu.memory_space<hbm>>
    tpu.wait_dma2 semaphore(%arg12 : memref<!tpu.dma_semaphore, #tpu.memory_space<semaphore_mem>>) src(%arg6 : memref<32x1024xf32, #tpu.memory_space<vmem>>) dst(%dma_wait3A_585 : memref<32x1024xf32, #tpu.memory_space<hbm>>)
    %dma_wait3A_586 = arith.constant 3 : i32
    %dma_wait3A_587 = arith.constant 1024 : i32
    %dma_wait3A_588 = tpu.memref_slice %arg3[%dma_wait3A_586, %add3A_387, %dma_wait3A_587] : memref<4x8192x2048xf32, #tpu.memory_space<hbm>> -> memref<1x32x1024xf32, #tpu.memory_space<hbm>>
    %dma_wait3A_589 = tpu.memref_squeeze %dma_wait3A_588 : memref<1x32x1024xf32, #tpu.memory_space<hbm>> -> memref<32x1024xf32, #tpu.memory_space<hbm>>
    %dma_wait3A_590 = arith.constant 1024 : i32
    %dma_wait3A_591 = tpu.memref_slice %arg3[%dma_wait3A_586, %add3A_387, %dma_wait3A_590] : memref<4x8192x2048xf32, #tpu.memory_space<hbm>> -> memref<1x32x1024xf32, #tpu.memory_space<hbm>>
    %dma_wait3A_592 = tpu.memref_squeeze %dma_wait3A_591 : memref<1x32x1024xf32, #tpu.memory_space<hbm>> -> memref<32x1024xf32, #tpu.memory_space<hbm>>
    tpu.wait_dma2 semaphore(%arg12 : memref<!tpu.dma_semaphore, #tpu.memory_space<semaphore_mem>>) src(%arg6 : memref<32x1024xf32, #tpu.memory_space<vmem>>) dst(%dma_wait3A_592 : memref<32x1024xf32, #tpu.memory_space<hbm>>)
    return
  }
}

module attributes {stable_mosaic.version = 14 : i64} {
  func.func @_tc_body(%arg0: i32, %arg1: i32, %arg2: memref<1x2048x1024xf32, #tpu.memory_space<vmem>>, %arg3: memref<4x8192x2048xf32, #tpu.memory_space<any>>, %arg4: memref<1x2048x1024xf32, #tpu.memory_space<vmem>>) attributes {dimension_semantics = [#tpu.dimension_semantics<arbitrary>, #tpu.dimension_semantics<arbitrary>], iteration_bounds = array<i64: 4, 4>, scalar_prefetch = 0 : i64, scratch_operands = 0 : i64, tpu.core_type = #tpu.core_type<tc>, window_params = [{transform_indices = @transform_0, window_bounds = array<i64: 1, 2048, 1024>}, {}, {transform_indices = @transform_2, window_bounds = array<i64: 1, 2048, 1024>}]} {
    %get3A = arith.constant 0 : index
    %get3A_0 = arith.constant 0 : index
    %get3A_1 = arith.constant 0 : index
    %get3A_2 = vector.load %arg2[%get3A, %get3A_0, %get3A_1] : memref<1x2048x1024xf32, #tpu.memory_space<vmem>>, vector<1x2048x1024xf32>
    %swap3A = arith.constant 0 : index
    %swap3A_3 = arith.constant 0 : index
    %swap3A_4 = arith.constant 0 : index
    %swap3A_5 = vector.load %arg4[%swap3A, %swap3A_3, %swap3A_4] : memref<1x2048x1024xf32, #tpu.memory_space<vmem>>, vector<1x2048x1024xf32>
    tpu.vector_store %arg4[%swap3A, %swap3A_3, %swap3A_4], %get3A_2 {strides = array<i32>} : memref<1x2048x1024xf32, #tpu.memory_space<vmem>>, vector<1x2048x1024xf32>,
    return
  }
  func.func @transform_0(%arg0: i32, %arg1: i32) -> (i32, i32, i32) {
    %c0_i32 = arith.constant 0 : i32
    %c0_i32_0 = arith.constant 0 : i32
    return %arg0, %arg1, %c0_i32 : i32, i32, i32
  }
  func.func @transform_2(%arg0: i32, %arg1: i32) -> (i32, i32, i32) {
    %c0_i32 = arith.constant 0 : i32
    %c0_i32_0 = arith.constant 0 : i32
    return %arg0, %arg1, %c0_i32 : i32, i32, i32
  }
}

</mosaic_0001>

<sc_bundles>
// kernel: kernel.4.cloned.1.call-start
scs
__scs_entry_jumppad:
0x0: {  	(pc) =	sbr.rel $0x88, $3  }
0x1: {  	(tag) =	ssettag $0x0;
	lr =	simm.s32 $0x1  }
0x2: {  	[smem:$0x3F9F] =	sst lr;
	_ =	strace $0xD0000000  }
0x3: {  	_ = 	snop  }
0x4: {  	_ = 	snop  }
0x5: {  	_ = 	snop  }
0x6: {  	_ = 	snop  }
0x7: {  	_ = 	snop  }
__scs_overlays_trampoline_lowered:
0x8: {  	[smem:$0x3FAE] =	sst s0  }
0x9: {  	[smem:$0x3FAF] =	sst s1  }
0xa: {  	[smem:$0x3FB0] =	sst s2  }
0xb: {  	[smem:$0x3FB1] =	sst s3  }
0xc: {  	[smem:$0x3FB2] =	sst s4  }
0xd: {  	[smem:$0x3FB3] =	sst s5  }
0xe: {  	[smem:$0x3FB4] =	sst s6  }
0xf: {  	[smem:$0x3FB5] =	sst s7  }
0x10: {  	[smem:$0x3FB6] =	sst s8  }
0x11: {  	[smem:$0x3FB7] =	sst s9;
	s0 =	simm.s32 @!p0 $0x0  }
0x12: {  	s1 =	sld [smem:$0x3F9D];
	s0 =	simm.s32 @p0 $0x1  }
0x13: {  	[smem:$0x3FB8] =	sst s0;
	s0 =	simm.s32 @!p1 $0x0  }
0x14: {  	s2 =	sld [smem:$0x3F9C];
	s0 =	simm.s32 @p1 $0x1  }
0x15: {  	[smem:$0x3FB9] =	sst s0;
	s0 =	simm.s32 @!p2 $0x0  }
0x16: {  	s3 =	sld [smem:$0x3FDB];
	s0 =	simm.s32 @p2 $0x1  }
0x17: {  	s4 =	simm.s32 $0x1BF5;
	[smem:$0x3FBB] =	sst s0  }
0x18: {  	s0 =	sld [smem:$0x3F9E];
	_ =	swait.ge [sflag:s4], $0x0  }
0x19: {  	s7 =	sld [smem:$0x3F9F]  }
0x1a: {  	s8 =	sadd.s32 $0xFFFFE003, lr  }
0x1b: {  	s9 =	sadd.s32 $0xFFFFFEF7, lr;
	s5 =	simm.s32 $0xFFFFFFFF;
	p2 =	slt.u32 s8, $0xFFFFF086  }
0x1c: {  	p1 =	slt.u32 s9, $0xF7A;
	s5 =	simm.s32 @!p2 $0x0  }
0x1d: {  	s5 =	simm.s32 @p1 $0x1;
	p0 =	seq.s32 s7, s2  }
0x1e: {  	s7 =	smul.u32 @!p0 $0xF7A, s2;
	p2 =	seq.s32 @!p0 s5, $0x0  }
0x1f: {  	s9 =	smul.u32 $0xF7A, s1;
	s8 =	simm.s32 @!p0 $0x1BF5;
	p2 =	por !p2, p0  }
0x20: {  	[sflag:s8] =	ssyncset.s32 @!p0 $0xFFFFF086;
	s6 =	sadd.s32 @!p0 s3, s7;
	s7 =	simm.s32 @!p0 $0x108  }
0x21: {  	s3 =	sadd.s32 s3, s9;
	s6 =	sadd.s32 @!p0 $0x88, s6;
	s7 =	simm.s32 @p2 $0x1082  }
0x22: {  	[simem:s7], [sflag:s8] =	dma.local @!p0 [hbm:s6], $0xF7A  }
0x23: {  	s9 =	sor.u32 $0xD0000000, s2;
	s6 =	simm.s32 $0x108;
	_ =	swait.ge @!p0 [sflag:s8], $0x0  }
0x24: {  	s3 =	sadd.s32 $0x88, s3;
	s6 =	simm.s32 @!p1 $0x1082;
	[sflag:s4] =	ssyncset.s32 $0xFFFFF086  }
0x25: {  	[simem:s6], [sflag:s4] =	dma.local [hbm:s3], $0xF7A  }
0x26: {  	[smem:$0x3F9F] =	sst s1;
	(tag) =	ssettag s2;
	_ =	strace s9  }
0x27: {  	s1 =	sld [smem:$0x3FAF]  }
0x28: {  	s2 =	sld [smem:$0x3FB0]  }
0x29: {  	s4 =	sld [smem:$0x3FB2]  }
0x2a: {  	p0 =	seq.s32 s5, $0x0;
	s5 =	sld [smem:$0x3FB3]  }
0x2b: {  	s6 =	sld [smem:$0x3FB4]  }
0x2c: {  	s7 =	sld [smem:$0x3FB5]  }
0x2d: {  	s3 =	simm.s32 $0x108;
	s8 =	sld [smem:$0x3FB6]  }
0x2e: {  	s3 =	simm.s32 @!p0 $0x1082;
	s9 =	sld [smem:$0x3FB7]  }
0x2f: {  	lr =	sadd.s32 s0, s3;
	s0 =	sld [smem:$0x3FAE]  }
0x30: {  	s3 =	sld [smem:$0x3FB1]  }
0x31: {  	[smem:$0x3FBA] =	sst s10  }
0x32: {  	s10 =	sld [smem:$0x3FB8];
	_ =	sdelay $0x3  }
0x33: {  	p0 =	seq.s32 s10, $0x1;
	s10 =	sld [smem:$0x3FBA];
	_ =	sdelay $0x3  }
0x34: {  	[smem:$0x3FBA] =	sst s10  }
0x35: {  	s10 =	sld [smem:$0x3FB9];
	_ =	sdelay $0x3  }
0x36: {  	p1 =	seq.s32 s10, $0x1;
	s10 =	sld [smem:$0x3FBA];
	_ =	sdelay $0x3  }
0x37: {  	[smem:$0x3FBA] =	sst s10  }
0x38: {  	s10 =	sld [smem:$0x3FBB]  }
0x39: {  	_ = 	snop;
	(pc) =	sbr.ind lr, $3  }
0x3a: {  	_ = 	snop  }
0x3b: {  	_ = 	snop  }
0x3c: {  	p2 =	seq.s32 s10, $0x1;
	s10 =	sld [smem:$0x3FBA]  }
0x3d: {  	_ =	shalt  }
0x3e: {  	_ =	shalt  }
0x3f: {  	_ =	shalt  }
0x40: {  	_ =	shalt  }
0x41: {  	_ =	shalt  }
0x42: {  	_ =	shalt  }
0x43: {  	_ =	shalt  }
0x44: {  	_ =	shalt  }
0x45: {  	_ =	shalt  }
0x46: {  	_ =	shalt  }
0x47: {  	_ =	shalt  }
0x48: {  	_ =	shalt  }
0x49: {  	_ =	shalt  }
0x4a: {  	_ =	shalt  }
0x4b: {  	_ =	shalt  }
0x4c: {  	_ =	shalt  }
0x4d: {  	_ =	shalt  }
0x4e: {  	_ =	shalt  }
0x4f: {  	_ =	shalt  }
0x50: {  	_ =	shalt  }
0x51: {  	_ =	shalt  }
0x52: {  	_ =	shalt  }
0x53: {  	_ =	shalt  }
0x54: {  	_ =	shalt  }
0x55: {  	_ =	shalt  }
0x56: {  	_ =	shalt  }
0x57: {  	_ =	shalt  }
0x58: {  	_ =	shalt  }
0x59: {  	_ =	shalt  }
0x5a: {  	_ =	shalt  }
0x5b: {  	_ =	shalt  }
0x5c: {  	_ =	shalt  }
0x5d: {  	_ =	shalt  }
0x5e: {  	_ =	shalt  }
0x5f: {  	_ =	shalt  }
0x60: {  	_ =	shalt  }
0x61: {  	_ =	shalt  }
0x62: {  	_ =	shalt  }
0x63: {  	_ =	shalt  }
0x64: {  	_ =	shalt  }
0x65: {  	_ =	shalt  }
0x66: {  	_ =	shalt  }
0x67: {  	_ =	shalt  }
0x68: {  	_ =	shalt  }
0x69: {  	_ =	shalt  }
0x6a: {  	_ =	shalt  }
0x6b: {  	_ =	shalt  }
0x6c: {  	_ =	shalt  }
0x6d: {  	_ =	shalt  }
0x6e: {  	_ =	shalt  }
0x6f: {  	_ =	shalt  }
0x70: {  	_ =	shalt  }
0x71: {  	_ =	shalt  }
0x72: {  	_ =	shalt  }
0x73: {  	_ =	shalt  }
0x74: {  	_ =	shalt  }
0x75: {  	_ =	shalt  }
0x76: {  	_ =	shalt  }
0x77: {  	_ =	shalt  }
0x78: {  	_ =	shalt  }
0x79: {  	_ =	shalt  }
0x7a: {  	_ =	shalt  }
0x7b: {  	_ =	shalt  }
0x7c: {  	_ =	shalt  }
0x7d: {  	_ =	shalt  }
0x7e: {  	_ =	shalt  }
0x7f: {  	_ =	shalt  }
0x80: {  	_ =	shalt  }
0x81: {  	_ =	shalt  }
0x82: {  	_ =	shalt  }
0x83: {  	_ =	shalt  }
0x84: {  	_ =	shalt  }
0x85: {  	_ =	shalt  }
0x86: {  	_ =	shalt  }
0x87: {  	_ =	shalt  }
.Lfunc_end0:
.L_simem_size_0:
called_computation_lowered:
.L_overlay_start_0:
0x88: {  	s2 =	sld [smem:$0x3FD9]  }
0x89: {  	s3 =	sld [smem:$0x3FFE];
	_ =	sdelay $0x1  }
0x8a: {  	s1 =	srdreg.scid  }
0x8b: {  	s0 =	sand.u32 $0x1, s1  }
0x8c: {  	s18 =	sshll.u32 s0, $0xA;
	s2 =	sadd.s32 s3, s2  }
0x8d: {  	s2 =	sadd.s32 s2, s18  }
0x8e: {  	[smem:$0x3FC6] =	sst s2  }
0x8f: {  	_ = 	snop  }
0x90: {  	s2 =	sld [smem:$0x3FC8]  }
0x91: {  	s19 =	sld [smem:$0x3FD0];
	(tm) =	ssettm $0x1  }
0x92: {  	s4 =	sld [smem:$0x3FFB];
	_ =	sdelay $0x3  }
0x93: {  	_ =	strace s4  }
0x94: {  	s4 =	sld [smem:$0x3FFC];
	_ =	sdelay $0x3  }
0x95: {  	_ =	strace s4  }
0x96: {  	s4 =	sld [smem:$0x3FFD];
	_ =	sdelay $0x3  }
0x97: {  	_ =	strace s4  }
0x98: {  	_ =	strace $0x8FFFFFFF  }
0x99: {  	s20 =	sld [smem:$0x3FDB];
	_ =	sdelay $0x1  }
0x9a: {  	s5 =	simm.s32 $_scs_section_size  }
0x9b: {  	s6 =	simm.s32 $_size__tile_overlayer_lowered;
	s7 =	simm.s32 $_tile_overlayer_lowered  }
0x9c: {  	s23 =	simm.s32 $0x1BFF;
	s22 =	sshll.u32 s7, $0x1;
	s4 =	sadd.s32 s5, s20  }
0x9d: {  	s8 =	simm.s32 $0x0;
	s21 =	sshll.u32 s6, $0x1;
	s6 =	sadd.s32 s22, s4  }
0x9e: {  	[timem:s8], [sflag:s23] =	dma.local [hbm:s6], s21  }
0x9f: {  	_ =	swait.ge [sflag:s23], s21  }
0xa0: {  	s5 =	ssub.s32 $0x0, s21;
	[sflag:s23] =	ssyncset.done $0x0  }
0xa1: {  	[sflag:s23] =	ssyncadd.s32 s5;
	_ =	sdelay $0x1  }
0xa2: {  	s24 =	simm.s32 $0x1B8B  }
0xa3: {  	_ =	swait.ge [sflag:s24], $0x1  }
0xa4: {  	[sflag:s24] =	ssyncset.done $0x0  }
0xa5: {  	s25 =	simm.s32 $0x1B8E;
	[sflag:s24] =	ssyncadd.s32 $0xFFFFFFFF  }
0xa6: {  	s26 =	simm.s32 $execute0_lowered;
	[smem:$0x3FD2] =	sst s25  }
0xa7: {  	s5 =	sshll.u32 s26, $0x1;
	_ =	strace $0x80000046;
	[dreg:$0x1] =	wrdreg $0xFFFFFFFF  }
0xa8: {  	s28 =	simm.s32 $_size_execute0_lowered;
	s4 =	sadd.s32 s4, s5;
	[dreg:$0x0] =	wrdreg $0x0  }
0xa9: {  	s5 =	sshll.u32 s28, $0x1;
	[dreg:$0x2] =	wrdreg s4  }
0xaa: {  	[dreg:$0x3] =	wrdreg s5  }
0xab: {  	[dreg:$0x4] =	wrdreg $0xC0  }
0xac: {  	_ =	task [dreg:s8], $0x5FFFF  }
0xad: {  	[dreg:$0x1] =	wrdreg $0xFFFFFFFF  }
0xae: {  	[dreg:$0x0] =	wrdreg $0x60  }
0xaf: {  	[dreg:$0x2] =	wrdreg s2  }
0xb0: {  	[dreg:$0x3] =	wrdreg s19  }
0xb1: {  	[dreg:$0x4] =	wrdreg $0x9  }
0xb2: {  	_ =	task.clear_ibuf [dreg:s8], $0x5FFFF;
	_ =	strace $0x90000046  }
0xb3: {  	s29 =	simm.s32 $0x9;
	_ =	strace $0x80000048  }
0xb4: {  	_ =	swait.ge [sflag:s29], $0x1  }
0xb5: {  	[sflag:s29] =	ssyncadd.s32 $0xFFFFFFFF  }
0xb6: {  	_ =	strace $0x90000048  }
0xb7: {  	_ =	sfence  }
0xb8: {  	s30 =	sld [smem:$0x0];
	_ =	sdelay $0x2  }
0xb9: {  	s31 =	sshll.u32 s1, $0xD;
	s1 =	sshrl.u32 s1, $0x2  }
0xba: {  	s3 =	sand.u32 $0x4000, s31;
	s1 =	sadd.s32 s1, s30  }
0xbb: {  	s0 =	sor.u32 s3, s0;
	s1 =	sshll.u32 s1, $0x11  }
0xbc: {  	s0 =	sor.u32 s1, s0  }
0xbd: {  	s0 =	sadd.s32 $0x8F2B, s0  }
0xbe: {  	[sflag:s0] =	ssyncadd.remote.s32 $0x1  }
0xbf: {  	_ =	sfence.sel $0xFFFF  }
0xc0: {  	[dreg:$0x0] =	wrdreg $0xFFFFFFFF;
	(pc) =	sbr.abs _section_cstart, $3  }
0xc1: {  	[dreg:$0x1] =	wrdreg $0xFFFFFFFF  }
0xc2: {  	_ =	task.clear_ibuf [dreg:s8], $0x2FFFF;
	_ =	strace $0x9FFFFFFF  }
0xc3: {  	(tm) =	ssettm $0x7FFFFFFF  }
tec
execute0_lowered:
.L_overlay_start_1:
0x0: {  	(tag) =	ssettag $0x1  }
0x1: {  	s0 =	srdreg.scid  }
0x2: {  	s1 =	rddreg [dreg:$0x0];
	s2 =	stileid.u32  }
0x3: {  	s6 =	rddreg [dreg:$0x1];
	p0 =	por $0x0, $0x0;
	s30 =	simm.s32 $0x10000  }
0x4: {  	s31 =	simm.s32 $0x3;
	s0 =	sand.u32 $0x1, s0;
	s3 =	sshll.u32 s2, $0x9  }
0x5: {  	s2 =	simm.s32 $0x0;
	s9 =	sadd.s32 $0x600400, s6;
	s4 =	sshll.u32 s0, $0x8  }
0x6: {  	[smem:$0x7FF] =	sst s2;
	s0 =	ssub.s32 $0x2, s0;
	s3 =	sor.u32 s4, s3  }
0x7: {  	_ =	strace $0x80000047;
	s4 =	sshll.u32 s3, $0x7;
	s5 =	sshrl.u32 s3, $0x3  }
0x8: {  	s10 =	sshll.u32 s3, $0x8;
	s3 =	sadd.s32 $0x400, s6;
	s4 =	sadd.s32 s1, s4  }
0x9: {  	s7 =	sor.u32 $0x4, s5;
	s8 =	sadd.s32 s10, s3;
	s20 =	sor.u32 $0x8, s5  }
0xa: {  	s26 =	sor.u32 $0xC, s5;
	s17 =	sor.u32 $0x10, s5;
	[dreg:$0x3] =	wrdreg s4  }
0xb: {  	s18 =	sshll.u32 s7, $0xA;
	[dreg:$0x5] =	wrdreg s8;
	s8 =	sadd.s32 $0x400400, s6  }
0xc: {  	s21 =	sshll.u32 s20, $0xA;
	s7 =	sshll.u32 s7, $0xB;
	s4 =	sadd.s32 s1, s18  }
0xd: {  	s12 =	sshll.u32 s26, $0xA;
	s11 =	sadd.s32 s10, s8;
	[dreg:$0x4] =	wrdreg s4  }
0xe: {  	s22 =	sadd.s32 s1, s21;
	s23 =	sadd.s32 s7, s3;
	[dreg:$0x7] =	wrdreg s11  }
0xf: {  	s25 =	sadd.s32 s7, s8;
	s13 =	sadd.s32 s1, s12;
	[dreg:$0x9] =	wrdreg s22  }
0x10: {  	s18 =	sshll.u32 s17, $0xA;
	s12 =	sor.u32 $0x14, s5;
	[dreg:$0xa] =	wrdreg s23  }
0x11: {  	s4 =	sadd.s32 $0x200400, s6;
	[dreg:$0xc] =	wrdreg s25;
	s6 =	sshll.u32 s20, $0xB  }
0x12: {  	[dreg:$0xe] =	wrdreg s13;
	s20 =	sshll.u32 s26, $0xB;
	s19 =	sadd.s32 s10, s4  }
0x13: {  	s22 =	sshrl.u32 s0, $0x1;
	s10 =	sadd.s32 s10, s9;
	[dreg:$0x6] =	wrdreg s19  }
0x14: {  	s26 =	sshll.u32 s12, $0xA;
	s24 =	sadd.s32 s7, s4;
	[dreg:$0x8] =	wrdreg s10  }
0x15: {  	s13 =	sshll.u32 s17, $0xB;
	s7 =	sadd.s32 s7, s9;
	[dreg:$0xb] =	wrdreg s24  }
0x16: {  	s17 =	sshll.u32 s12, $0xB;
	s14 =	sadd.s32 s6, s3;
	[dreg:$0xd] =	wrdreg s7  }
0x17: {  	s12 =	simm.s32 $0x8000;
	s15 =	sadd.s32 s6, s4;
	[dreg:$0xf] =	wrdreg s14  }
0x18: {  	s16 =	sadd.s32 s6, s8;
	s6 =	sadd.s32 s6, s9;
	[dreg:$0x10] =	wrdreg s15  }
0x19: {  	s21 =	sadd.s32 s20, s3;
	s23 =	sadd.s32 s20, s4;
	[dreg:$0x11] =	wrdreg s16  }
0x1a: {  	s25 =	sadd.s32 s20, s9;
	s0 =	ssub.s32 s0, s22;
	[dreg:$0x12] =	wrdreg s6  }
0x1b: {  	s28 =	sadd.s32 s13, s8;
	s29 =	sadd.s32 s13, s9;
	[dreg:$0x14] =	wrdreg s21  }
0x1c: {  	s22 =	sadd.s32 s17, s8;
	s19 =	sadd.s32 s1, s18;
	[dreg:$0x15] =	wrdreg s23  }
0x1d: {  	s24 =	sadd.s32 s20, s8;
	[dreg:$0x17] =	wrdreg s25;
	s7 =	sadd.s32 s1, s26  }
0x1e: {  	s25 =	sadd.s32 s13, s3;
	s26 =	sadd.s32 s13, s4;
	s14 =	sor.u32 $0x18, s5  }
0x1f: {  	s18 =	sadd.s32 s17, s3;
	s5 =	sor.u32 $0x1C, s5;
	[dreg:$0x13] =	wrdreg s19  }
0x20: {  	s21 =	sadd.s32 s17, s4;
	s23 =	sadd.s32 s17, s9;
	[dreg:$0x16] =	wrdreg s24  }
0x21: {  	s0 =	smax.u32 s0, $0x1;
	s17 =	simm.s32 $0x4000;
	[dreg:$0x18] =	wrdreg s7  }
0x22: {  	s16 =	sshll.u32 s14, $0xA;
	s19 =	sshll.u32 s5, $0xA;
	s20 =	sshll.u32 s14, $0xB  }
0x23: {  	s5 =	sshll.u32 s5, $0xB;
	p1 =	sne.s32 s0, $0x1;
	s24 =	sadd.s32 s1, s16  }
0x24: {  	s15 =	sadd.s32 s1, s19;
	s10 =	sadd.s32 s20, s3;
	s11 =	sadd.s32 s20, s4  }
.Ltmp0:
0x25: {  	s13 =	sadd.s32 s20, s8;
	s14 =	sadd.s32 s20, s9;
	(pc) =	sbr.rel @!p1 .LBB2_3-.Ltmp0, $4  }
0x26: {  	s6 =	sadd.s32 s5, s3;
	s7 =	sadd.s32 s5, s4;
	s8 =	sadd.s32 s5, s8  }
0x27: {  	s9 =	sadd.s32 s5, s9;
	s19 =	simm.s32 $0x1;
	s16 =	simm.s32 $0x2000  }
0x28: {  	s1 =	sadd.s32 $0xFFFFFFFF, s0;
	s20 =	simm.s32 $0x2;
	s5 =	simm.s32 $0x4  }
0x29: {  	s4 =	simm.s32 $0x5;
	s3 =	simm.s32 $0x6;
	s0 =	rddreg [dreg:$0x3]  }
0x2a: {  	[dreg:$0x19] =	wrdreg s1  }
0x2b: {  	[tilespmem:s2], [sflag:$0x1] =	stream.linear.gather [hbm4b:s0+s2], $0x8000, $0x38;
	[tilespmem:$0x18000] =	vst v63  }
0x2c: {  	s1 =	rddreg [dreg:$0x4]  }
0x2d: {  	[tilespmem:s12], [sflag:$0x2] =	stream.linear.gather [hbm4b:s1+s2], $0x8000, $0x38;
	[tilespmem:$0x18000] =	vst v63  }
0x2e: {  	_ =	swait.ge [sflag:s19], $0x8000  }
0x2f: {  	[sflag:s19] =	ssyncset.done $0x0  }
0x30: {  	s0 =	rddreg [dreg:$0x5];
	[sflag:s19] =	ssyncadd.s32 $0xFFFF8000  }
0x31: {  	[hbm4b:s0+s16] =	stream.strided.scatter [tilespmem:s2], [sflag:$0x4], $0x8000, s17, s16, $0x38;
	[tilespmem:$0x18000] =	vst v63  }
0x32: {  	s1 =	rddreg [dreg:$0x6]  }
0x33: {  	[hbm4b:s1+s16] =	stream.strided.scatter [tilespmem:s2], [sflag:$0x4], $0x8000, s17, s16, $0x38;
	[tilespmem:$0x18000] =	vst v63  }
0x34: {  	s0 =	rddreg [dreg:$0x7]  }
0x35: {  	[hbm4b:s0+s16] =	stream.strided.scatter [tilespmem:s2], [sflag:$0x4], $0x8000, s17, s16, $0x38;
	[tilespmem:$0x18000] =	vst v63  }
0x36: {  	s1 =	rddreg [dreg:$0x8]  }
0x37: {  	[hbm4b:s1+s16] =	stream.strided.scatter [tilespmem:s2], [sflag:$0x4], $0x8000, s17, s16, $0x38;
	[tilespmem:$0x18000] =	vst v63  }
0x38: {  	s0 =	rddreg [dreg:$0x9]  }
0x39: {  	[tilespmem:s30], [sflag:$0x3] =	stream.linear.gather [hbm4b:s0+s2], $0x8000, $0x38;
	[tilespmem:$0x18000] =	vst v63  }
0x3a: {  	_ =	swait.ge [sflag:s20], $0x8000  }
0x3b: {  	[sflag:s20] =	ssyncset.done $0x0  }
0x3c: {  	s0 =	rddreg [dreg:$0xa];
	[sflag:s20] =	ssyncadd.s32 $0xFFFF8000  }
0x3d: {  	[hbm4b:s0+s16] =	stream.strided.scatter [tilespmem:s12], [sflag:$0x5], $0x8000, s17, s16, $0x38;
	[tilespmem:$0x18000] =	vst v63  }
0x3e: {  	s1 =	rddreg [dreg:$0xb]  }
0x3f: {  	[hbm4b:s1+s16] =	stream.strided.scatter [tilespmem:s12], [sflag:$0x5], $0x8000, s17, s16, $0x38;
	[tilespmem:$0x18000] =	vst v63  }
0x40: {  	s0 =	rddreg [dreg:$0xc]  }
0x41: {  	[hbm4b:s0+s16] =	stream.strided.scatter [tilespmem:s12], [sflag:$0x5], $0x8000, s17, s16, $0x38;
	[tilespmem:$0x18000] =	vst v63  }
0x42: {  	s1 =	rddreg [dreg:$0xd]  }
0x43: {  	[hbm4b:s1+s16] =	stream.strided.scatter [tilespmem:s12], [sflag:$0x5], $0x8000, s17, s16, $0x38;
	[tilespmem:$0x18000] =	vst v63  }
0x44: {  	_ =	swait.ge [sflag:s5], $0x8000  }
0x45: {  	[sflag:s5] =	ssyncset.done $0x0  }
0x46: {  	[sflag:s5] =	ssyncadd.s32 $0xFFFF8000  }
0x47: {  	_ =	swait.ge [sflag:s5], $0x8000  }
0x48: {  	[sflag:s5] =	ssyncset.done $0x0  }
0x49: {  	[sflag:s5] =	ssyncadd.s32 $0xFFFF8000  }
0x4a: {  	_ =	swait.ge [sflag:s5], $0x8000  }
0x4b: {  	[sflag:s5] =	ssyncset.done $0x0  }
0x4c: {  	[sflag:s5] =	ssyncadd.s32 $0xFFFF8000  }
0x4d: {  	_ =	swait.ge [sflag:s5], $0x8000  }
0x4e: {  	[sflag:s5] =	ssyncset.done $0x0  }
0x4f: {  	s1 =	rddreg [dreg:$0xe];
	[sflag:s5] =	ssyncadd.s32 $0xFFFF8000  }
0x50: {  	[tilespmem:s2], [sflag:$0x1] =	stream.linear.gather [hbm4b:s1+s2], $0x8000, $0x38;
	[tilespmem:$0x18000] =	vst v63  }
0x51: {  	_ =	swait.ge [sflag:s31], $0x8000  }
0x52: {  	[sflag:s31] =	ssyncset.done $0x0  }
0x53: {  	s0 =	rddreg [dreg:$0xf];
	[sflag:s31] =	ssyncadd.s32 $0xFFFF8000  }
0x54: {  	[hbm4b:s0+s16] =	stream.strided.scatter [tilespmem:s30], [sflag:$0x6], $0x8000, s17, s16, $0x38;
	[tilespmem:$0x18000] =	vst v63  }
0x55: {  	s1 =	rddreg [dreg:$0x10]  }
0x56: {  	[hbm4b:s1+s16] =	stream.strided.scatter [tilespmem:s30], [sflag:$0x6], $0x8000, s17, s16, $0x38;
	[tilespmem:$0x18000] =	vst v63  }
0x57: {  	s0 =	rddreg [dreg:$0x11]  }
0x58: {  	[hbm4b:s0+s16] =	stream.strided.scatter [tilespmem:s30], [sflag:$0x6], $0x8000, s17, s16, $0x38;
	[tilespmem:$0x18000] =	vst v63  }
0x59: {  	s1 =	rddreg [dreg:$0x12]  }
0x5a: {  	[hbm4b:s1+s16] =	stream.strided.scatter [tilespmem:s30], [sflag:$0x6], $0x8000, s17, s16, $0x38;
	[tilespmem:$0x18000] =	vst v63  }
0x5b: {  	_ =	swait.ge [sflag:s4], $0x8000  }
0x5c: {  	[sflag:s4] =	ssyncset.done $0x0  }
0x5d: {  	[sflag:s4] =	ssyncadd.s32 $0xFFFF8000  }
0x5e: {  	_ =	swait.ge [sflag:s4], $0x8000  }
0x5f: {  	[sflag:s4] =	ssyncset.done $0x0  }
0x60: {  	[sflag:s4] =	ssyncadd.s32 $0xFFFF8000  }
0x61: {  	_ =	swait.ge [sflag:s4], $0x8000  }
0x62: {  	[sflag:s4] =	ssyncset.done $0x0  }
0x63: {  	[sflag:s4] =	ssyncadd.s32 $0xFFFF8000  }
0x64: {  	_ =	swait.ge [sflag:s4], $0x8000  }
0x65: {  	[sflag:s4] =	ssyncset.done $0x0  }
0x66: {  	s1 =	rddreg [dreg:$0x13];
	[sflag:s4] =	ssyncadd.s32 $0xFFFF8000  }
0x67: {  	[tilespmem:s12], [sflag:$0x2] =	stream.linear.gather [hbm4b:s1+s2], $0x8000, $0x38;
	[tilespmem:$0x18000] =	vst v63  }
0x68: {  	_ =	swait.ge [sflag:s19], $0x8000  }
0x69: {  	[sflag:s19] =	ssyncset.done $0x0  }
0x6a: {  	s0 =	rddreg [dreg:$0x14];
	[sflag:s19] =	ssyncadd.s32 $0xFFFF8000  }
0x6b: {  	[hbm4b:s0+s16] =	stream.strided.scatter [tilespmem:s2], [sflag:$0x4], $0x8000, s17, s16, $0x38;
	[tilespmem:$0x18000] =	vst v63  }
0x6c: {  	s1 =	rddreg [dreg:$0x15]  }
0x6d: {  	[hbm4b:s1+s16] =	stream.strided.scatter [tilespmem:s2], [sflag:$0x4], $0x8000, s17, s16, $0x38;
	[tilespmem:$0x18000] =	vst v63  }
0x6e: {  	s0 =	rddreg [dreg:$0x16]  }
0x6f: {  	[hbm4b:s0+s16] =	stream.strided.scatter [tilespmem:s2], [sflag:$0x4], $0x8000, s17, s16, $0x38;
	[tilespmem:$0x18000] =	vst v63  }
0x70: {  	s1 =	rddreg [dreg:$0x17]  }
0x71: {  	[hbm4b:s1+s16] =	stream.strided.scatter [tilespmem:s2], [sflag:$0x4], $0x8000, s17, s16, $0x38;
	[tilespmem:$0x18000] =	vst v63  }
0x72: {  	_ =	swait.ge [sflag:s3], $0x8000  }
0x73: {  	[sflag:s3] =	ssyncset.done $0x0  }
0x74: {  	[sflag:s3] =	ssyncadd.s32 $0xFFFF8000  }
0x75: {  	_ =	swait.ge [sflag:s3], $0x8000  }
0x76: {  	[sflag:s3] =	ssyncset.done $0x0  }
0x77: {  	[sflag:s3] =	ssyncadd.s32 $0xFFFF8000  }
0x78: {  	_ =	swait.ge [sflag:s3], $0x8000  }
0x79: {  	[sflag:s3] =	ssyncset.done $0x0  }
0x7a: {  	[sflag:s3] =	ssyncadd.s32 $0xFFFF8000  }
0x7b: {  	_ =	swait.ge [sflag:s3], $0x8000  }
0x7c: {  	[sflag:s3] =	ssyncset.done $0x0  }
0x7d: {  	s1 =	rddreg [dreg:$0x18];
	[sflag:s3] =	ssyncadd.s32 $0xFFFF8000  }
0x7e: {  	[tilespmem:s30], [sflag:$0x3] =	stream.linear.gather [hbm4b:s1+s2], $0x8000, $0x38;
	[tilespmem:$0x18000] =	vst v63  }
0x7f: {  	_ =	swait.ge [sflag:s20], $0x8000  }
0x80: {  	[sflag:s20] =	ssyncset.done $0x0  }
0x81: {  	[sflag:s20] =	ssyncadd.s32 $0xFFFF8000  }
0x82: {  	[hbm4b:s25+s16] =	stream.strided.scatter [tilespmem:s12], [sflag:$0x5], $0x8000, s17, s16, $0x38;
	[tilespmem:$0x18000] =	vst v63  }
0x83: {  	_ = 	snop  }
0x84: {  	[hbm4b:s26+s16] =	stream.strided.scatter [tilespmem:s12], [sflag:$0x5], $0x8000, s17, s16, $0x38;
	[tilespmem:$0x18000] =	vst v63  }
0x85: {  	_ = 	snop  }
0x86: {  	[hbm4b:s28+s16] =	stream.strided.scatter [tilespmem:s12], [sflag:$0x5], $0x8000, s17, s16, $0x38;
	[tilespmem:$0x18000] =	vst v63  }
0x87: {  	_ = 	snop  }
0x88: {  	[hbm4b:s29+s16] =	stream.strided.scatter [tilespmem:s12], [sflag:$0x5], $0x8000, s17, s16, $0x38;
	[tilespmem:$0x18000] =	vst v63  }
0x89: {  	_ =	swait.ge [sflag:s5], $0x8000  }
0x8a: {  	[sflag:s5] =	ssyncset.done $0x0  }
0x8b: {  	[sflag:s5] =	ssyncadd.s32 $0xFFFF8000  }
0x8c: {  	_ =	swait.ge [sflag:s5], $0x8000  }
0x8d: {  	[sflag:s5] =	ssyncset.done $0x0  }
0x8e: {  	[sflag:s5] =	ssyncadd.s32 $0xFFFF8000  }
0x8f: {  	_ =	swait.ge [sflag:s5], $0x8000  }
0x90: {  	[sflag:s5] =	ssyncset.done $0x0  }
0x91: {  	[sflag:s5] =	ssyncadd.s32 $0xFFFF8000  }
0x92: {  	_ =	swait.ge [sflag:s5], $0x8000  }
0x93: {  	[sflag:s5] =	ssyncset.done $0x0  }
0x94: {  	[sflag:s5] =	ssyncadd.s32 $0xFFFF8000  }
0x95: {  	[tilespmem:s2], [sflag:$0x1] =	stream.linear.gather [hbm4b:s24+s2], $0x8000, $0x38;
	[tilespmem:$0x18000] =	vst v63  }
0x96: {  	_ =	swait.ge [sflag:s31], $0x8000  }
0x97: {  	[sflag:s31] =	ssyncset.done $0x0  }
0x98: {  	[sflag:s31] =	ssyncadd.s32 $0xFFFF8000  }
0x99: {  	[hbm4b:s18+s16] =	stream.strided.scatter [tilespmem:s30], [sflag:$0x6], $0x8000, s17, s16, $0x38;
	[tilespmem:$0x18000] =	vst v63  }
0x9a: {  	_ = 	snop  }
0x9b: {  	[hbm4b:s21+s16] =	stream.strided.scatter [tilespmem:s30], [sflag:$0x6], $0x8000, s17, s16, $0x38;
	[tilespmem:$0x18000] =	vst v63  }
0x9c: {  	_ = 	snop  }
0x9d: {  	[hbm4b:s22+s16] =	stream.strided.scatter [tilespmem:s30], [sflag:$0x6], $0x8000, s17, s16, $0x38;
	[tilespmem:$0x18000] =	vst v63  }
0x9e: {  	_ = 	snop  }
0x9f: {  	[hbm4b:s23+s16] =	stream.strided.scatter [tilespmem:s30], [sflag:$0x6], $0x8000, s17, s16, $0x38;
	[tilespmem:$0x18000] =	vst v63  }
0xa0: {  	_ =	swait.ge [sflag:s4], $0x8000  }
0xa1: {  	[sflag:s4] =	ssyncset.done $0x0  }
0xa2: {  	[sflag:s4] =	ssyncadd.s32 $0xFFFF8000  }
0xa3: {  	_ =	swait.ge [sflag:s4], $0x8000  }
0xa4: {  	[sflag:s4] =	ssyncset.done $0x0  }
0xa5: {  	[sflag:s4] =	ssyncadd.s32 $0xFFFF8000  }
0xa6: {  	_ =	swait.ge [sflag:s4], $0x8000  }
0xa7: {  	[sflag:s4] =	ssyncset.done $0x0  }
0xa8: {  	[sflag:s4] =	ssyncadd.s32 $0xFFFF8000  }
0xa9: {  	_ =	swait.ge [sflag:s4], $0x8000  }
0xaa: {  	[sflag:s4] =	ssyncset.done $0x0  }
0xab: {  	[sflag:s4] =	ssyncadd.s32 $0xFFFF8000  }
0xac: {  	[tilespmem:s12], [sflag:$0x2] =	stream.linear.gather [hbm4b:s15+s2], $0x8000, $0x38;
	[tilespmem:$0x18000] =	vst v63  }
0xad: {  	_ =	swait.ge [sflag:s19], $0x8000  }
0xae: {  	[sflag:s19] =	ssyncset.done $0x0  }
0xaf: {  	[sflag:s19] =	ssyncadd.s32 $0xFFFF8000  }
0xb0: {  	[hbm4b:s10+s16] =	stream.strided.scatter [tilespmem:s2], [sflag:$0x4], $0x8000, s17, s16, $0x38;
	[tilespmem:$0x18000] =	vst v63  }
0xb1: {  	_ = 	snop  }
0xb2: {  	[hbm4b:s11+s16] =	stream.strided.scatter [tilespmem:s2], [sflag:$0x4], $0x8000, s17, s16, $0x38;
	[tilespmem:$0x18000] =	vst v63  }
0xb3: {  	_ = 	snop  }
0xb4: {  	[hbm4b:s13+s16] =	stream.strided.scatter [tilespmem:s2], [sflag:$0x4], $0x8000, s17, s16, $0x38;
	[tilespmem:$0x18000] =	vst v63  }
0xb5: {  	_ = 	snop  }
0xb6: {  	[hbm4b:s14+s16] =	stream.strided.scatter [tilespmem:s2], [sflag:$0x4], $0x8000, s17, s16, $0x38;
	[tilespmem:$0x18000] =	vst v63  }
0xb7: {  	_ =	swait.ge [sflag:s20], $0x8000  }
0xb8: {  	[sflag:s20] =	ssyncset.done $0x0  }
0xb9: {  	[sflag:s20] =	ssyncadd.s32 $0xFFFF8000  }
0xba: {  	[hbm4b:s6+s16] =	stream.strided.scatter [tilespmem:s12], [sflag:$0x5], $0x8000, s17, s16, $0x38;
	[tilespmem:$0x18000] =	vst v63  }
0xbb: {  	_ = 	snop  }
0xbc: {  	[hbm4b:s7+s16] =	stream.strided.scatter [tilespmem:s12], [sflag:$0x5], $0x8000, s17, s16, $0x38;
	[tilespmem:$0x18000] =	vst v63  }
0xbd: {  	_ = 	snop  }
0xbe: {  	[hbm4b:s8+s16] =	stream.strided.scatter [tilespmem:s12], [sflag:$0x5], $0x8000, s17, s16, $0x38;
	[tilespmem:$0x18000] =	vst v63  }
0xbf: {  	_ = 	snop  }
0xc0: {  	[hbm4b:s9+s16] =	stream.strided.scatter [tilespmem:s12], [sflag:$0x5], $0x8000, s17, s16, $0x38;
	[tilespmem:$0x18000] =	vst v63  }
0xc1: {  	_ =	swait.ge [sflag:s5], $0x8000  }
0xc2: {  	[sflag:s5] =	ssyncset.done $0x0  }
0xc3: {  	[sflag:s5] =	ssyncadd.s32 $0xFFFF8000  }
0xc4: {  	_ =	swait.ge [sflag:s5], $0x8000  }
0xc5: {  	[sflag:s5] =	ssyncset.done $0x0  }
0xc6: {  	[sflag:s5] =	ssyncadd.s32 $0xFFFF8000  }
0xc7: {  	_ =	swait.ge [sflag:s5], $0x8000  }
0xc8: {  	[sflag:s5] =	ssyncset.done $0x0  }
0xc9: {  	[sflag:s5] =	ssyncadd.s32 $0xFFFF8000  }
0xca: {  	_ =	swait.ge [sflag:s5], $0x8000  }
0xcb: {  	[sflag:s5] =	ssyncset.done $0x0  }
0xcc: {  	[sflag:s5] =	ssyncadd.s32 $0xFFFF8000  }
0xcd: {  	_ =	swait.ge [sflag:s4], $0x8000  }
0xce: {  	[sflag:s4] =	ssyncset.done $0x0  }
0xcf: {  	[sflag:s4] =	ssyncadd.s32 $0xFFFF8000  }
0xd0: {  	_ =	swait.ge [sflag:s4], $0x8000  }
0xd1: {  	[sflag:s4] =	ssyncset.done $0x0  }
0xd2: {  	[sflag:s4] =	ssyncadd.s32 $0xFFFF8000  }
0xd3: {  	_ =	swait.ge [sflag:s4], $0x8000  }
0xd4: {  	[sflag:s4] =	ssyncset.done $0x0  }
0xd5: {  	[sflag:s4] =	ssyncadd.s32 $0xFFFF8000  }
0xd6: {  	_ =	swait.ge [sflag:s4], $0x8000  }
0xd7: {  	[sflag:s4] =	ssyncset.done $0x0  }
0xd8: {  	[sflag:s4] =	ssyncadd.s32 $0xFFFF8000  }
0xd9: {  	_ =	swait.ge [sflag:s3], $0x8000  }
0xda: {  	[sflag:s3] =	ssyncset.done $0x0  }
0xdb: {  	[sflag:s3] =	ssyncadd.s32 $0xFFFF8000  }
0xdc: {  	_ =	swait.ge [sflag:s3], $0x8000  }
0xdd: {  	[sflag:s3] =	ssyncset.done $0x0  }
0xde: {  	[sflag:s3] =	ssyncadd.s32 $0xFFFF8000  }
0xdf: {  	_ =	swait.ge [sflag:s3], $0x8000  }
0xe0: {  	s1 =	rddreg [dreg:$0x19]  }
0xe1: {  	p1 =	sne.s32 s1, $0x1  }
.Ltmp1:
0xe2: {  	_ = 	snop;
	(pc) =	sbr.rel @!p1 .LBB2_3-.Ltmp1, $4  }
0xe3: {  	[sflag:s3] =	ssyncset.done $0x0  }
0xe4: {  	[sflag:s3] =	ssyncadd.s32 $0xFFFF8000  }
0xe5: {  	p0 =	por $0x1, $0x1;
	_ =	swait.ge [sflag:s3], $0x8000  }
0xe6: {  	s1 =	sadd.s32 $0xFFFFFFFF, s1;
	s0 =	rddreg [dreg:$0x3];
	[sflag:s3] =	ssyncset.done $0x0  }
.LBB2_2:
0xe7: {  	[sflag:s3] =	ssyncadd.s32 $0xFFFF8000;
	s20 =	simm.s32 $0x1;
	s31 =	smov.u32 s29  }
0xe8: {  	s29 =	smov.u32 s28;
	s28 =	smov.u32 s26;
	s26 =	smov.u32 s25  }
0xe9: {  	s25 =	smov.u32 s24;
	s24 =	smov.u32 s23;
	s23 =	smov.u32 s22  }
0xea: {  	s22 =	smov.u32 s21;
	s21 =	smov.u32 s18;
	s18 =	smov.u32 s15  }
0xeb: {  	s15 =	smov.u32 s14;
	s14 =	smov.u32 s13;
	s13 =	smov.u32 s11  }
0xec: {  	s11 =	smov.u32 s10;
	s10 =	smov.u32 s9;
	s9 =	smov.u32 s8  }
0xed: {  	[tilespmem:s2], [sflag:$0x1] =	stream.linear.gather [hbm4b:s0+s2], $0x8000, $0x38;
	[tilespmem:$0x18000] =	vst v63  }
0xee: {  	s8 =	smov.u32 s7;
	s7 =	smov.u32 s6;
	s6 =	rddreg [dreg:$0x4]  }
0xef: {  	[tilespmem:s12], [sflag:$0x2] =	stream.linear.gather [hbm4b:s6+s2], $0x8000, $0x38;
	[tilespmem:$0x18000] =	vst v63  }
0xf0: {  	_ =	swait.ge [sflag:s20], $0x8000  }
0xf1: {  	[sflag:s20] =	ssyncset.done $0x0  }
0xf2: {  	s0 =	rddreg [dreg:$0x5];
	[sflag:s20] =	ssyncadd.s32 $0xFFFF8000  }
0xf3: {  	[hbm4b:s0+s16] =	stream.strided.scatter [tilespmem:s2], [sflag:$0x4], $0x8000, s17, s16, $0x38;
	[tilespmem:$0x18000] =	vst v63  }
0xf4: {  	s6 =	rddreg [dreg:$0x6]  }
0xf5: {  	[hbm4b:s6+s16] =	stream.strided.scatter [tilespmem:s2], [sflag:$0x4], $0x8000, s17, s16, $0x38;
	[tilespmem:$0x18000] =	vst v63  }
0xf6: {  	s0 =	rddreg [dreg:$0x7]  }
0xf7: {  	[hbm4b:s0+s16] =	stream.strided.scatter [tilespmem:s2], [sflag:$0x4], $0x8000, s17, s16, $0x38;
	[tilespmem:$0x18000] =	vst v63  }
0xf8: {  	s6 =	rddreg [dreg:$0x8]  }
0xf9: {  	[hbm4b:s6+s16] =	stream.strided.scatter [tilespmem:s2], [sflag:$0x4], $0x8000, s17, s16, $0x38;
	[tilespmem:$0x18000] =	vst v63  }
0xfa: {  	s20 =	simm.s32 $0x2;
	s0 =	rddreg [dreg:$0x9]  }
0xfb: {  	[tilespmem:s30], [sflag:$0x3] =	stream.linear.gather [hbm4b:s0+s2], $0x8000, $0x38;
	[tilespmem:$0x18000] =	vst v63  }
0xfc: {  	_ =	swait.ge [sflag:s20], $0x8000  }
0xfd: {  	[sflag:s20] =	ssyncset.done $0x0  }
0xfe: {  	s0 =	rddreg [dreg:$0xa];
	[sflag:s20] =	ssyncadd.s32 $0xFFFF8000  }
0xff: {  	[hbm4b:s0+s16] =	stream.strided.scatter [tilespmem:s12], [sflag:$0x5], $0x8000, s17, s16, $0x38;
	[tilespmem:$0x18000] =	vst v63  }
0x100: {  	s6 =	rddreg [dreg:$0xb]  }
0x101: {  	[hbm4b:s6+s16] =	stream.strided.scatter [tilespmem:s12], [sflag:$0x5], $0x8000, s17, s16, $0x38;
	[tilespmem:$0x18000] =	vst v63  }
0x102: {  	s0 =	rddreg [dreg:$0xc]  }
0x103: {  	[hbm4b:s0+s16] =	stream.strided.scatter [tilespmem:s12], [sflag:$0x5], $0x8000, s17, s16, $0x38;
	[tilespmem:$0x18000] =	vst v63  }
0x104: {  	s6 =	rddreg [dreg:$0xd]  }
0x105: {  	[hbm4b:s6+s16] =	stream.strided.scatter [tilespmem:s12], [sflag:$0x5], $0x8000, s17, s16, $0x38;
	[tilespmem:$0x18000] =	vst v63  }
0x106: {  	_ =	swait.ge [sflag:s5], $0x8000  }
0x107: {  	[sflag:s5] =	ssyncset.done $0x0  }
0x108: {  	[sflag:s5] =	ssyncadd.s32 $0xFFFF8000  }
0x109: {  	_ =	swait.ge [sflag:s5], $0x8000  }
0x10a: {  	[sflag:s5] =	ssyncset.done $0x0  }
0x10b: {  	[sflag:s5] =	ssyncadd.s32 $0xFFFF8000  }
0x10c: {  	_ =	swait.ge [sflag:s5], $0x8000  }
0x10d: {  	[sflag:s5] =	ssyncset.done $0x0  }
0x10e: {  	[sflag:s5] =	ssyncadd.s32 $0xFFFF8000  }
0x10f: {  	_ =	swait.ge [sflag:s5], $0x8000  }
0x110: {  	[sflag:s5] =	ssyncset.done $0x0  }
0x111: {  	s19 =	simm.s32 $0x3;
	s6 =	rddreg [dreg:$0xe];
	[sflag:s5] =	ssyncadd.s32 $0xFFFF8000  }
0x112: {  	[tilespmem:s2], [sflag:$0x1] =	stream.linear.gather [hbm4b:s6+s2], $0x8000, $0x38;
	[tilespmem:$0x18000] =	vst v63  }
0x113: {  	_ =	swait.ge [sflag:s19], $0x8000  }
0x114: {  	[sflag:s19] =	ssyncset.done $0x0  }
0x115: {  	s0 =	rddreg [dreg:$0xf];
	[sflag:s19] =	ssyncadd.s32 $0xFFFF8000  }
0x116: {  	[hbm4b:s0+s16] =	stream.strided.scatter [tilespmem:s30], [sflag:$0x6], $0x8000, s17, s16, $0x38;
	[tilespmem:$0x18000] =	vst v63  }
0x117: {  	s6 =	rddreg [dreg:$0x10]  }
0x118: {  	[hbm4b:s6+s16] =	stream.strided.scatter [tilespmem:s30], [sflag:$0x6], $0x8000, s17, s16, $0x38;
	[tilespmem:$0x18000] =	vst v63  }
0x119: {  	s0 =	rddreg [dreg:$0x11]  }
0x11a: {  	[hbm4b:s0+s16] =	stream.strided.scatter [tilespmem:s30], [sflag:$0x6], $0x8000, s17, s16, $0x38;
	[tilespmem:$0x18000] =	vst v63  }
0x11b: {  	s6 =	rddreg [dreg:$0x12]  }
0x11c: {  	[hbm4b:s6+s16] =	stream.strided.scatter [tilespmem:s30], [sflag:$0x6], $0x8000, s17, s16, $0x38;
	[tilespmem:$0x18000] =	vst v63  }
0x11d: {  	_ =	swait.ge [sflag:s4], $0x8000  }
0x11e: {  	[sflag:s4] =	ssyncset.done $0x0  }
0x11f: {  	[sflag:s4] =	ssyncadd.s32 $0xFFFF8000  }
0x120: {  	_ =	swait.ge [sflag:s4], $0x8000  }
0x121: {  	[sflag:s4] =	ssyncset.done $0x0  }
0x122: {  	[sflag:s4] =	ssyncadd.s32 $0xFFFF8000  }
0x123: {  	_ =	swait.ge [sflag:s4], $0x8000  }
0x124: {  	[sflag:s4] =	ssyncset.done $0x0  }
0x125: {  	[sflag:s4] =	ssyncadd.s32 $0xFFFF8000  }
0x126: {  	_ =	swait.ge [sflag:s4], $0x8000  }
0x127: {  	[sflag:s4] =	ssyncset.done $0x0  }
0x128: {  	s19 =	simm.s32 $0x1;
	s6 =	rddreg [dreg:$0x13];
	[sflag:s4] =	ssyncadd.s32 $0xFFFF8000  }
0x129: {  	[tilespmem:s12], [sflag:$0x2] =	stream.linear.gather [hbm4b:s6+s2], $0x8000, $0x38;
	[tilespmem:$0x18000] =	vst v63  }
0x12a: {  	_ =	swait.ge [sflag:s19], $0x8000  }
0x12b: {  	[sflag:s19] =	ssyncset.done $0x0  }
0x12c: {  	s0 =	rddreg [dreg:$0x14];
	[sflag:s19] =	ssyncadd.s32 $0xFFFF8000  }
0x12d: {  	[hbm4b:s0+s16] =	stream.strided.scatter [tilespmem:s2], [sflag:$0x4], $0x8000, s17, s16, $0x38;
	[tilespmem:$0x18000] =	vst v63  }
0x12e: {  	s6 =	rddreg [dreg:$0x15]  }
0x12f: {  	[hbm4b:s6+s16] =	stream.strided.scatter [tilespmem:s2], [sflag:$0x4], $0x8000, s17, s16, $0x38;
	[tilespmem:$0x18000] =	vst v63  }
0x130: {  	s0 =	rddreg [dreg:$0x16]  }
0x131: {  	[hbm4b:s0+s16] =	stream.strided.scatter [tilespmem:s2], [sflag:$0x4], $0x8000, s17, s16, $0x38;
	[tilespmem:$0x18000] =	vst v63  }
0x132: {  	s6 =	rddreg [dreg:$0x17]  }
0x133: {  	[hbm4b:s6+s16] =	stream.strided.scatter [tilespmem:s2], [sflag:$0x4], $0x8000, s17, s16, $0x38;
	[tilespmem:$0x18000] =	vst v63  }
0x134: {  	_ =	swait.ge [sflag:s3], $0x8000  }
0x135: {  	[sflag:s3] =	ssyncset.done $0x0  }
0x136: {  	[sflag:s3] =	ssyncadd.s32 $0xFFFF8000  }
0x137: {  	_ =	swait.ge [sflag:s3], $0x8000  }
0x138: {  	[sflag:s3] =	ssyncset.done $0x0  }
0x139: {  	[sflag:s3] =	ssyncadd.s32 $0xFFFF8000  }
0x13a: {  	_ =	swait.ge [sflag:s3], $0x8000  }
0x13b: {  	s6 =	smov.u32 s7;
	s7 =	smov.u32 s8;
	[sflag:s3] =	ssyncset.done $0x0  }
0x13c: {  	s8 =	smov.u32 s9;
	s9 =	smov.u32 s10;
	[sflag:s3] =	ssyncadd.s32 $0xFFFF8000  }
0x13d: {  	s10 =	smov.u32 s11;
	s11 =	smov.u32 s13;
	_ =	swait.ge [sflag:s3], $0x8000  }
0x13e: {  	s13 =	smov.u32 s14;
	s14 =	smov.u32 s15;
	[sflag:s3] =	ssyncset.done $0x0  }
0x13f: {  	s15 =	smov.u32 s18;
	s0 =	rddreg [dreg:$0x18];
	[sflag:s3] =	ssyncadd.s32 $0xFFFF8000  }
0x140: {  	[tilespmem:s30], [sflag:$0x3] =	stream.linear.gather [hbm4b:s0+s2], $0x8000, $0x38;
	[tilespmem:$0x18000] =	vst v63  }
0x141: {  	s18 =	smov.u32 s21;
	s21 =	smov.u32 s22;
	_ =	swait.ge [sflag:s20], $0x8000  }
0x142: {  	s22 =	smov.u32 s23;
	s23 =	smov.u32 s24;
	[sflag:s20] =	ssyncset.done $0x0  }
0x143: {  	s24 =	smov.u32 s25;
	s25 =	smov.u32 s26;
	[sflag:s20] =	ssyncadd.s32 $0xFFFF8000  }
0x144: {  	[hbm4b:s25+s16] =	stream.strided.scatter [tilespmem:s12], [sflag:$0x5], $0x8000, s17, s16, $0x38;
	[tilespmem:$0x18000] =	vst v63  }
0x145: {  	s26 =	smov.u32 s28  }
0x146: {  	[hbm4b:s26+s16] =	stream.strided.scatter [tilespmem:s12], [sflag:$0x5], $0x8000, s17, s16, $0x38;
	[tilespmem:$0x18000] =	vst v63  }
0x147: {  	s28 =	smov.u32 s29  }
0x148: {  	[hbm4b:s28+s16] =	stream.strided.scatter [tilespmem:s12], [sflag:$0x5], $0x8000, s17, s16, $0x38;
	[tilespmem:$0x18000] =	vst v63  }
0x149: {  	s29 =	smov.u32 s31  }
0x14a: {  	[hbm4b:s29+s16] =	stream.strided.scatter [tilespmem:s12], [sflag:$0x5], $0x8000, s17, s16, $0x38;
	[tilespmem:$0x18000] =	vst v63  }
0x14b: {  	_ =	swait.ge [sflag:s5], $0x8000  }
0x14c: {  	[sflag:s5] =	ssyncset.done $0x0  }
0x14d: {  	[sflag:s5] =	ssyncadd.s32 $0xFFFF8000  }
0x14e: {  	_ =	swait.ge [sflag:s5], $0x8000  }
0x14f: {  	[sflag:s5] =	ssyncset.done $0x0  }
0x150: {  	[sflag:s5] =	ssyncadd.s32 $0xFFFF8000  }
0x151: {  	_ =	swait.ge [sflag:s5], $0x8000  }
0x152: {  	[sflag:s5] =	ssyncset.done $0x0  }
0x153: {  	[sflag:s5] =	ssyncadd.s32 $0xFFFF8000  }
0x154: {  	_ =	swait.ge [sflag:s5], $0x8000  }
0x155: {  	[sflag:s5] =	ssyncset.done $0x0  }
0x156: {  	s31 =	simm.s32 $0x3;
	[sflag:s5] =	ssyncadd.s32 $0xFFFF8000  }
0x157: {  	[tilespmem:s2], [sflag:$0x1] =	stream.linear.gather [hbm4b:s24+s2], $0x8000, $0x38;
	[tilespmem:$0x18000] =	vst v63  }
0x158: {  	_ =	swait.ge [sflag:s31], $0x8000  }
0x159: {  	[sflag:s31] =	ssyncset.done $0x0  }
0x15a: {  	[sflag:s31] =	ssyncadd.s32 $0xFFFF8000  }
0x15b: {  	[hbm4b:s18+s16] =	stream.strided.scatter [tilespmem:s30], [sflag:$0x6], $0x8000, s17, s16, $0x38;
	[tilespmem:$0x18000] =	vst v63  }
0x15c: {  	_ = 	snop  }
0x15d: {  	[hbm4b:s21+s16] =	stream.strided.scatter [tilespmem:s30], [sflag:$0x6], $0x8000, s17, s16, $0x38;
	[tilespmem:$0x18000] =	vst v63  }
0x15e: {  	_ = 	snop  }
0x15f: {  	[hbm4b:s22+s16] =	stream.strided.scatter [tilespmem:s30], [sflag:$0x6], $0x8000, s17, s16, $0x38;
	[tilespmem:$0x18000] =	vst v63  }
0x160: {  	_ = 	snop  }
0x161: {  	[hbm4b:s23+s16] =	stream.strided.scatter [tilespmem:s30], [sflag:$0x6], $0x8000, s17, s16, $0x38;
	[tilespmem:$0x18000] =	vst v63  }
0x162: {  	_ =	swait.ge [sflag:s4], $0x8000  }
0x163: {  	[sflag:s4] =	ssyncset.done $0x0  }
0x164: {  	[sflag:s4] =	ssyncadd.s32 $0xFFFF8000  }
0x165: {  	_ =	swait.ge [sflag:s4], $0x8000  }
0x166: {  	[sflag:s4] =	ssyncset.done $0x0  }
0x167: {  	[sflag:s4] =	ssyncadd.s32 $0xFFFF8000  }
0x168: {  	_ =	swait.ge [sflag:s4], $0x8000  }
0x169: {  	[sflag:s4] =	ssyncset.done $0x0  }
0x16a: {  	[sflag:s4] =	ssyncadd.s32 $0xFFFF8000  }
0x16b: {  	_ =	swait.ge [sflag:s4], $0x8000  }
0x16c: {  	[sflag:s4] =	ssyncset.done $0x0  }
0x16d: {  	[sflag:s4] =	ssyncadd.s32 $0xFFFF8000  }
0x16e: {  	[tilespmem:s12], [sflag:$0x2] =	stream.linear.gather [hbm4b:s15+s2], $0x8000, $0x38;
	[tilespmem:$0x18000] =	vst v63  }
0x16f: {  	_ =	swait.ge [sflag:s19], $0x8000  }
0x170: {  	[sflag:s19] =	ssyncset.done $0x0  }
0x171: {  	[sflag:s19] =	ssyncadd.s32 $0xFFFF8000  }
0x172: {  	[hbm4b:s10+s16] =	stream.strided.scatter [tilespmem:s2], [sflag:$0x4], $0x8000, s17, s16, $0x38;
	[tilespmem:$0x18000] =	vst v63  }
0x173: {  	_ = 	snop  }
0x174: {  	[hbm4b:s11+s16] =	stream.strided.scatter [tilespmem:s2], [sflag:$0x4], $0x8000, s17, s16, $0x38;
	[tilespmem:$0x18000] =	vst v63  }
0x175: {  	_ = 	snop  }
0x176: {  	[hbm4b:s13+s16] =	stream.strided.scatter [tilespmem:s2], [sflag:$0x4], $0x8000, s17, s16, $0x38;
	[tilespmem:$0x18000] =	vst v63  }
0x177: {  	_ = 	snop  }
0x178: {  	[hbm4b:s14+s16] =	stream.strided.scatter [tilespmem:s2], [sflag:$0x4], $0x8000, s17, s16, $0x38;
	[tilespmem:$0x18000] =	vst v63  }
0x179: {  	_ =	swait.ge [sflag:s20], $0x8000  }
0x17a: {  	[sflag:s20] =	ssyncset.done $0x0  }
0x17b: {  	[sflag:s20] =	ssyncadd.s32 $0xFFFF8000  }
0x17c: {  	[hbm4b:s6+s16] =	stream.strided.scatter [tilespmem:s12], [sflag:$0x5], $0x8000, s17, s16, $0x38;
	[tilespmem:$0x18000] =	vst v63  }
0x17d: {  	_ = 	snop  }
0x17e: {  	[hbm4b:s7+s16] =	stream.strided.scatter [tilespmem:s12], [sflag:$0x5], $0x8000, s17, s16, $0x38;
	[tilespmem:$0x18000] =	vst v63  }
0x17f: {  	_ = 	snop  }
0x180: {  	[hbm4b:s8+s16] =	stream.strided.scatter [tilespmem:s12], [sflag:$0x5], $0x8000, s17, s16, $0x38;
	[tilespmem:$0x18000] =	vst v63  }
0x181: {  	_ = 	snop  }
0x182: {  	[hbm4b:s9+s16] =	stream.strided.scatter [tilespmem:s12], [sflag:$0x5], $0x8000, s17, s16, $0x38;
	[tilespmem:$0x18000] =	vst v63  }
0x183: {  	_ =	swait.ge [sflag:s5], $0x8000  }
0x184: {  	[sflag:s5] =	ssyncset.done $0x0  }
0x185: {  	[sflag:s5] =	ssyncadd.s32 $0xFFFF8000  }
0x186: {  	_ =	swait.ge [sflag:s5], $0x8000  }
0x187: {  	[sflag:s5] =	ssyncset.done $0x0  }
0x188: {  	[sflag:s5] =	ssyncadd.s32 $0xFFFF8000  }
0x189: {  	_ =	swait.ge [sflag:s5], $0x8000  }
0x18a: {  	[sflag:s5] =	ssyncset.done $0x0  }
0x18b: {  	[sflag:s5] =	ssyncadd.s32 $0xFFFF8000  }
0x18c: {  	_ =	swait.ge [sflag:s5], $0x8000  }
0x18d: {  	[sflag:s5] =	ssyncset.done $0x0  }
0x18e: {  	[sflag:s5] =	ssyncadd.s32 $0xFFFF8000  }
0x18f: {  	_ =	swait.ge [sflag:s4], $0x8000  }
0x190: {  	[sflag:s4] =	ssyncset.done $0x0  }
0x191: {  	[sflag:s4] =	ssyncadd.s32 $0xFFFF8000  }
0x192: {  	_ =	swait.ge [sflag:s4], $0x8000  }
0x193: {  	[sflag:s4] =	ssyncset.done $0x0  }
0x194: {  	[sflag:s4] =	ssyncadd.s32 $0xFFFF8000  }
0x195: {  	_ =	swait.ge [sflag:s4], $0x8000  }
0x196: {  	[sflag:s4] =	ssyncset.done $0x0  }
0x197: {  	[sflag:s4] =	ssyncadd.s32 $0xFFFF8000  }
0x198: {  	_ =	swait.ge [sflag:s4], $0x8000  }
0x199: {  	[sflag:s4] =	ssyncset.done $0x0  }
0x19a: {  	[sflag:s4] =	ssyncadd.s32 $0xFFFF8000  }
0x19b: {  	_ =	swait.ge [sflag:s3], $0x8000  }
0x19c: {  	[sflag:s3] =	ssyncset.done $0x0  }
0x19d: {  	[sflag:s3] =	ssyncadd.s32 $0xFFFF8000  }
0x19e: {  	_ =	swait.ge [sflag:s3], $0x8000  }
0x19f: {  	[sflag:s3] =	ssyncset.done $0x0  }
0x1a0: {  	p1 =	sne.s32 s1, $0x1;
	[sflag:s3] =	ssyncadd.s32 $0xFFFF8000  }
.Ltmp2:
0x1a1: {  	_ =	swait.ge [sflag:s3], $0x8000;
	(pc) =	sbr.rel @p1 .LBB2_2-.Ltmp2, $4  }
0x1a2: {  	[sflag:s3] =	ssyncset.done $0x0  }
0x1a3: {  	[sflag:s3] =	ssyncadd.s32 $0xFFFF8000  }
0x1a4: {  	_ =	swait.ge [sflag:s3], $0x8000  }
0x1a5: {  	s1 =	sadd.s32 $0xFFFFFFFF, s1;
	s0 =	rddreg [dreg:$0x3];
	[sflag:s3] =	ssyncset.done $0x0  }
.LBB2_3:
0x1a6: {  	[sflag:s3] =	ssyncadd.s32 @p0 $0xFFFF8000  }
0x1a7: {  	[tilespmem:s2], [sflag:$0x1] =	stream.linear.gather [hbm4b:s0+s2], $0x8000, $0x38;
	[tilespmem:$0x18000] =	vst v63  }
0x1a8: {  	s1 =	rddreg [dreg:$0x4]  }
0x1a9: {  	[tilespmem:s12], [sflag:$0x2] =	stream.linear.gather [hbm4b:s1+s2], $0x8000, $0x38;
	[tilespmem:$0x18000] =	vst v63  }
0x1aa: {  	_ =	swait.ge [sflag:s19], $0x8000  }
0x1ab: {  	[sflag:s19] =	ssyncset.done $0x0  }
0x1ac: {  	s0 =	rddreg [dreg:$0x5];
	[sflag:s19] =	ssyncadd.s32 $0xFFFF8000  }
0x1ad: {  	[hbm4b:s0+s16] =	stream.strided.scatter [tilespmem:s2], [sflag:$0x4], $0x8000, s17, s16, $0x38;
	[tilespmem:$0x18000] =	vst v63  }
0x1ae: {  	s1 =	rddreg [dreg:$0x6]  }
0x1af: {  	[hbm4b:s1+s16] =	stream.strided.scatter [tilespmem:s2], [sflag:$0x4], $0x8000, s17, s16, $0x38;
	[tilespmem:$0x18000] =	vst v63  }
0x1b0: {  	s0 =	rddreg [dreg:$0x7]  }
0x1b1: {  	[hbm4b:s0+s16] =	stream.strided.scatter [tilespmem:s2], [sflag:$0x4], $0x8000, s17, s16, $0x38;
	[tilespmem:$0x18000] =	vst v63  }
0x1b2: {  	s1 =	rddreg [dreg:$0x8]  }
0x1b3: {  	[hbm4b:s1+s16] =	stream.strided.scatter [tilespmem:s2], [sflag:$0x4], $0x8000, s17, s16, $0x38;
	[tilespmem:$0x18000] =	vst v63  }
0x1b4: {  	s0 =	rddreg [dreg:$0x9]  }
0x1b5: {  	[tilespmem:s30], [sflag:$0x3] =	stream.linear.gather [hbm4b:s0+s2], $0x8000, $0x38;
	[tilespmem:$0x18000] =	vst v63  }
0x1b6: {  	_ =	swait.ge [sflag:s20], $0x8000  }
0x1b7: {  	[sflag:s20] =	ssyncset.done $0x0  }
0x1b8: {  	s0 =	rddreg [dreg:$0xa];
	[sflag:s20] =	ssyncadd.s32 $0xFFFF8000  }
0x1b9: {  	[hbm4b:s0+s16] =	stream.strided.scatter [tilespmem:s12], [sflag:$0x5], $0x8000, s17, s16, $0x38;
	[tilespmem:$0x18000] =	vst v63  }
0x1ba: {  	s1 =	rddreg [dreg:$0xb]  }
0x1bb: {  	[hbm4b:s1+s16] =	stream.strided.scatter [tilespmem:s12], [sflag:$0x5], $0x8000, s17, s16, $0x38;
	[tilespmem:$0x18000] =	vst v63  }
0x1bc: {  	s0 =	rddreg [dreg:$0xc]  }
0x1bd: {  	[hbm4b:s0+s16] =	stream.strided.scatter [tilespmem:s12], [sflag:$0x5], $0x8000, s17, s16, $0x38;
	[tilespmem:$0x18000] =	vst v63  }
0x1be: {  	s1 =	rddreg [dreg:$0xd]  }
0x1bf: {  	[hbm4b:s1+s16] =	stream.strided.scatter [tilespmem:s12], [sflag:$0x5], $0x8000, s17, s16, $0x38;
	[tilespmem:$0x18000] =	vst v63  }
0x1c0: {  	_ =	swait.ge [sflag:s5], $0x8000  }
0x1c1: {  	[sflag:s5] =	ssyncset.done $0x0  }
0x1c2: {  	[sflag:s5] =	ssyncadd.s32 $0xFFFF8000  }
0x1c3: {  	_ =	swait.ge [sflag:s5], $0x8000  }
0x1c4: {  	[sflag:s5] =	ssyncset.done $0x0  }
0x1c5: {  	[sflag:s5] =	ssyncadd.s32 $0xFFFF8000  }
0x1c6: {  	_ =	swait.ge [sflag:s5], $0x8000  }
0x1c7: {  	[sflag:s5] =	ssyncset.done $0x0  }
0x1c8: {  	[sflag:s5] =	ssyncadd.s32 $0xFFFF8000  }
0x1c9: {  	_ =	swait.ge [sflag:s5], $0x8000  }
0x1ca: {  	[sflag:s5] =	ssyncset.done $0x0  }
0x1cb: {  	s1 =	rddreg [dreg:$0xe];
	[sflag:s5] =	ssyncadd.s32 $0xFFFF8000  }
0x1cc: {  	[tilespmem:s2], [sflag:$0x1] =	stream.linear.gather [hbm4b:s1+s2], $0x8000, $0x38;
	[tilespmem:$0x18000] =	vst v63  }
0x1cd: {  	_ =	swait.ge [sflag:s31], $0x8000  }
0x1ce: {  	[sflag:s31] =	ssyncset.done $0x0  }
0x1cf: {  	s0 =	rddreg [dreg:$0xf];
	[sflag:s31] =	ssyncadd.s32 $0xFFFF8000  }
0x1d0: {  	[hbm4b:s0+s16] =	stream.strided.scatter [tilespmem:s30], [sflag:$0x6], $0x8000, s17, s16, $0x38;
	[tilespmem:$0x18000] =	vst v63  }
0x1d1: {  	s1 =	rddreg [dreg:$0x10]  }
0x1d2: {  	[hbm4b:s1+s16] =	stream.strided.scatter [tilespmem:s30], [sflag:$0x6], $0x8000, s17, s16, $0x38;
	[tilespmem:$0x18000] =	vst v63  }
0x1d3: {  	s0 =	rddreg [dreg:$0x11]  }
0x1d4: {  	[hbm4b:s0+s16] =	stream.strided.scatter [tilespmem:s30], [sflag:$0x6], $0x8000, s17, s16, $0x38;
	[tilespmem:$0x18000] =	vst v63  }
0x1d5: {  	s1 =	rddreg [dreg:$0x12]  }
0x1d6: {  	[hbm4b:s1+s16] =	stream.strided.scatter [tilespmem:s30], [sflag:$0x6], $0x8000, s17, s16, $0x38;
	[tilespmem:$0x18000] =	vst v63  }
0x1d7: {  	_ =	swait.ge [sflag:s4], $0x8000  }
0x1d8: {  	[sflag:s4] =	ssyncset.done $0x0  }
0x1d9: {  	[sflag:s4] =	ssyncadd.s32 $0xFFFF8000  }
0x1da: {  	_ =	swait.ge [sflag:s4], $0x8000  }
0x1db: {  	[sflag:s4] =	ssyncset.done $0x0  }
0x1dc: {  	[sflag:s4] =	ssyncadd.s32 $0xFFFF8000  }
0x1dd: {  	_ =	swait.ge [sflag:s4], $0x8000  }
0x1de: {  	[sflag:s4] =	ssyncset.done $0x0  }
0x1df: {  	[sflag:s4] =	ssyncadd.s32 $0xFFFF8000  }
0x1e0: {  	_ =	swait.ge [sflag:s4], $0x8000  }
0x1e1: {  	[sflag:s4] =	ssyncset.done $0x0  }
0x1e2: {  	s1 =	rddreg [dreg:$0x13];
	[sflag:s4] =	ssyncadd.s32 $0xFFFF8000  }
0x1e3: {  	[tilespmem:s12], [sflag:$0x2] =	stream.linear.gather [hbm4b:s1+s2], $0x8000, $0x38;
	[tilespmem:$0x18000] =	vst v63  }
0x1e4: {  	_ =	swait.ge [sflag:s19], $0x8000  }
0x1e5: {  	[sflag:s19] =	ssyncset.done $0x0  }
0x1e6: {  	s0 =	rddreg [dreg:$0x14];
	[sflag:s19] =	ssyncadd.s32 $0xFFFF8000  }
0x1e7: {  	[hbm4b:s0+s16] =	stream.strided.scatter [tilespmem:s2], [sflag:$0x4], $0x8000, s17, s16, $0x38;
	[tilespmem:$0x18000] =	vst v63  }
0x1e8: {  	s1 =	rddreg [dreg:$0x15]  }
0x1e9: {  	[hbm4b:s1+s16] =	stream.strided.scatter [tilespmem:s2], [sflag:$0x4], $0x8000, s17, s16, $0x38;
	[tilespmem:$0x18000] =	vst v63  }
0x1ea: {  	s0 =	rddreg [dreg:$0x16]  }
0x1eb: {  	[hbm4b:s0+s16] =	stream.strided.scatter [tilespmem:s2], [sflag:$0x4], $0x8000, s17, s16, $0x38;
	[tilespmem:$0x18000] =	vst v63  }
0x1ec: {  	s1 =	rddreg [dreg:$0x17]  }
0x1ed: {  	[hbm4b:s1+s16] =	stream.strided.scatter [tilespmem:s2], [sflag:$0x4], $0x8000, s17, s16, $0x38;
	[tilespmem:$0x18000] =	vst v63  }
0x1ee: {  	_ =	swait.ge [sflag:s3], $0x8000  }
0x1ef: {  	[sflag:s3] =	ssyncset.done $0x0  }
0x1f0: {  	[sflag:s3] =	ssyncadd.s32 $0xFFFF8000  }
0x1f1: {  	_ =	swait.ge [sflag:s3], $0x8000  }
0x1f2: {  	[sflag:s3] =	ssyncset.done $0x0  }
0x1f3: {  	[sflag:s3] =	ssyncadd.s32 $0xFFFF8000  }
0x1f4: {  	_ =	swait.ge [sflag:s3], $0x8000  }
0x1f5: {  	[sflag:s3] =	ssyncset.done $0x0  }
0x1f6: {  	[sflag:s3] =	ssyncadd.s32 $0xFFFF8000  }
0x1f7: {  	_ =	swait.ge [sflag:s3], $0x8000  }
0x1f8: {  	[sflag:s3] =	ssyncset.done $0x0  }
0x1f9: {  	s1 =	rddreg [dreg:$0x18];
	[sflag:s3] =	ssyncadd.s32 $0xFFFF8000  }
0x1fa: {  	[tilespmem:s30], [sflag:$0x3] =	stream.linear.gather [hbm4b:s1+s2], $0x8000, $0x38;
	[tilespmem:$0x18000] =	vst v63  }
0x1fb: {  	_ =	swait.ge [sflag:s20], $0x8000  }
0x1fc: {  	[sflag:s20] =	ssyncset.done $0x0  }
0x1fd: {  	[sflag:s20] =	ssyncadd.s32 $0xFFFF8000  }
0x1fe: {  	[hbm4b:s25+s16] =	stream.strided.scatter [tilespmem:s12], [sflag:$0x5], $0x8000, s17, s16, $0x38;
	[tilespmem:$0x18000] =	vst v63  }
0x1ff: {  	_ = 	snop  }
0x200: {  	[hbm4b:s26+s16] =	stream.strided.scatter [tilespmem:s12], [sflag:$0x5], $0x8000, s17, s16, $0x38;
	[tilespmem:$0x18000] =	vst v63  }
0x201: {  	_ = 	snop  }
0x202: {  	[hbm4b:s28+s16] =	stream.strided.scatter [tilespmem:s12], [sflag:$0x5], $0x8000, s17, s16, $0x38;
	[tilespmem:$0x18000] =	vst v63  }
0x203: {  	_ = 	snop  }
0x204: {  	[hbm4b:s29+s16] =	stream.strided.scatter [tilespmem:s12], [sflag:$0x5], $0x8000, s17, s16, $0x38;
	[tilespmem:$0x18000] =	vst v63  }
0x205: {  	_ =	swait.ge [sflag:s5], $0x8000  }
0x206: {  	[sflag:s5] =	ssyncset.done $0x0  }
0x207: {  	[sflag:s5] =	ssyncadd.s32 $0xFFFF8000  }
0x208: {  	_ =	swait.ge [sflag:s5], $0x8000  }
0x209: {  	[sflag:s5] =	ssyncset.done $0x0  }
0x20a: {  	[sflag:s5] =	ssyncadd.s32 $0xFFFF8000  }
0x20b: {  	_ =	swait.ge [sflag:s5], $0x8000  }
0x20c: {  	[sflag:s5] =	ssyncset.done $0x0  }
0x20d: {  	[sflag:s5] =	ssyncadd.s32 $0xFFFF8000  }
0x20e: {  	_ =	swait.ge [sflag:s5], $0x8000  }
0x20f: {  	[sflag:s5] =	ssyncset.done $0x0  }
0x210: {  	[sflag:s5] =	ssyncadd.s32 $0xFFFF8000  }
0x211: {  	[tilespmem:s2], [sflag:$0x1] =	stream.linear.gather [hbm4b:s24+s2], $0x8000, $0x38;
	[tilespmem:$0x18000] =	vst v63  }
0x212: {  	_ =	swait.ge [sflag:s31], $0x8000  }
0x213: {  	[sflag:s31] =	ssyncset.done $0x0  }
0x214: {  	[sflag:s31] =	ssyncadd.s32 $0xFFFF8000  }
0x215: {  	[hbm4b:s18+s16] =	stream.strided.scatter [tilespmem:s30], [sflag:$0x6], $0x8000, s17, s16, $0x38;
	[tilespmem:$0x18000] =	vst v63  }
0x216: {  	_ = 	snop  }
0x217: {  	[hbm4b:s21+s16] =	stream.strided.scatter [tilespmem:s30], [sflag:$0x6], $0x8000, s17, s16, $0x38;
	[tilespmem:$0x18000] =	vst v63  }
0x218: {  	_ = 	snop  }
0x219: {  	[hbm4b:s22+s16] =	stream.strided.scatter [tilespmem:s30], [sflag:$0x6], $0x8000, s17, s16, $0x38;
	[tilespmem:$0x18000] =	vst v63  }
0x21a: {  	_ = 	snop  }
0x21b: {  	[hbm4b:s23+s16] =	stream.strided.scatter [tilespmem:s30], [sflag:$0x6], $0x8000, s17, s16, $0x38;
	[tilespmem:$0x18000] =	vst v63  }
0x21c: {  	_ =	swait.ge [sflag:s4], $0x8000  }
0x21d: {  	[sflag:s4] =	ssyncset.done $0x0  }
0x21e: {  	[sflag:s4] =	ssyncadd.s32 $0xFFFF8000  }
0x21f: {  	_ =	swait.ge [sflag:s4], $0x8000  }
0x220: {  	[sflag:s4] =	ssyncset.done $0x0  }
0x221: {  	[sflag:s4] =	ssyncadd.s32 $0xFFFF8000  }
0x222: {  	_ =	swait.ge [sflag:s4], $0x8000  }
0x223: {  	[sflag:s4] =	ssyncset.done $0x0  }
0x224: {  	[sflag:s4] =	ssyncadd.s32 $0xFFFF8000  }
0x225: {  	_ =	swait.ge [sflag:s4], $0x8000  }
0x226: {  	[sflag:s4] =	ssyncset.done $0x0  }
0x227: {  	[sflag:s4] =	ssyncadd.s32 $0xFFFF8000  }
0x228: {  	[tilespmem:s12], [sflag:$0x2] =	stream.linear.gather [hbm4b:s15+s2], $0x8000, $0x38;
	[tilespmem:$0x18000] =	vst v63  }
0x229: {  	_ =	swait.ge [sflag:s19], $0x8000  }
0x22a: {  	[sflag:s19] =	ssyncset.done $0x0  }
0x22b: {  	[sflag:s19] =	ssyncadd.s32 $0xFFFF8000  }
0x22c: {  	[hbm4b:s10+s16] =	stream.strided.scatter [tilespmem:s2], [sflag:$0x4], $0x8000, s17, s16, $0x38;
	[tilespmem:$0x18000] =	vst v63  }
0x22d: {  	_ = 	snop  }
0x22e: {  	[hbm4b:s11+s16] =	stream.strided.scatter [tilespmem:s2], [sflag:$0x4], $0x8000, s17, s16, $0x38;
	[tilespmem:$0x18000] =	vst v63  }
0x22f: {  	_ = 	snop  }
0x230: {  	[hbm4b:s13+s16] =	stream.strided.scatter [tilespmem:s2], [sflag:$0x4], $0x8000, s17, s16, $0x38;
	[tilespmem:$0x18000] =	vst v63  }
0x231: {  	_ = 	snop  }
0x232: {  	[hbm4b:s14+s16] =	stream.strided.scatter [tilespmem:s2], [sflag:$0x4], $0x8000, s17, s16, $0x38;
	[tilespmem:$0x18000] =	vst v63  }
0x233: {  	_ =	swait.ge [sflag:s20], $0x8000  }
0x234: {  	[sflag:s20] =	ssyncset.done $0x0  }
0x235: {  	[sflag:s20] =	ssyncadd.s32 $0xFFFF8000  }
0x236: {  	[hbm4b:s6+s16] =	stream.strided.scatter [tilespmem:s12], [sflag:$0x5], $0x8000, s17, s16, $0x38;
	[tilespmem:$0x18000] =	vst v63  }
0x237: {  	_ = 	snop  }
0x238: {  	[hbm4b:s7+s16] =	stream.strided.scatter [tilespmem:s12], [sflag:$0x5], $0x8000, s17, s16, $0x38;
	[tilespmem:$0x18000] =	vst v63  }
0x239: {  	_ = 	snop  }
0x23a: {  	[hbm4b:s8+s16] =	stream.strided.scatter [tilespmem:s12], [sflag:$0x5], $0x8000, s17, s16, $0x38;
	[tilespmem:$0x18000] =	vst v63  }
0x23b: {  	_ = 	snop  }
0x23c: {  	[hbm4b:s9+s16] =	stream.strided.scatter [tilespmem:s12], [sflag:$0x5], $0x8000, s17, s16, $0x38;
	[tilespmem:$0x18000] =	vst v63  }
0x23d: {  	_ =	swait.ge [sflag:s5], $0x8000  }
0x23e: {  	[sflag:s5] =	ssyncset.done $0x0  }
0x23f: {  	[sflag:s5] =	ssyncadd.s32 $0xFFFF8000  }
0x240: {  	_ =	swait.ge [sflag:s5], $0x8000  }
0x241: {  	[sflag:s5] =	ssyncset.done $0x0  }
0x242: {  	[sflag:s5] =	ssyncadd.s32 $0xFFFF8000  }
0x243: {  	_ =	swait.ge [sflag:s5], $0x8000  }
0x244: {  	[sflag:s5] =	ssyncset.done $0x0  }
0x245: {  	[sflag:s5] =	ssyncadd.s32 $0xFFFF8000  }
0x246: {  	_ =	swait.ge [sflag:s5], $0x8000  }
0x247: {  	[sflag:s5] =	ssyncset.done $0x0  }
0x248: {  	[sflag:s5] =	ssyncadd.s32 $0xFFFF8000  }
0x249: {  	_ =	swait.ge [sflag:s4], $0x8000  }
0x24a: {  	[sflag:s4] =	ssyncset.done $0x0  }
0x24b: {  	[sflag:s4] =	ssyncadd.s32 $0xFFFF8000  }
0x24c: {  	_ =	swait.ge [sflag:s4], $0x8000  }
0x24d: {  	[sflag:s4] =	ssyncset.done $0x0  }
0x24e: {  	[sflag:s4] =	ssyncadd.s32 $0xFFFF8000  }
0x24f: {  	_ =	swait.ge [sflag:s4], $0x8000  }
0x250: {  	[sflag:s4] =	ssyncset.done $0x0  }
0x251: {  	[sflag:s4] =	ssyncadd.s32 $0xFFFF8000  }
0x252: {  	_ =	swait.ge [sflag:s4], $0x8000  }
0x253: {  	[sflag:s4] =	ssyncset.done $0x0  }
0x254: {  	[sflag:s4] =	ssyncadd.s32 $0xFFFF8000  }
0x255: {  	_ =	swait.ge [sflag:s3], $0x8000  }
0x256: {  	[sflag:s3] =	ssyncset.done $0x0  }
0x257: {  	[sflag:s3] =	ssyncadd.s32 $0xFFFF8000  }
0x258: {  	_ =	swait.ge [sflag:s3], $0x8000  }
0x259: {  	[sflag:s3] =	ssyncset.done $0x0  }
0x25a: {  	[sflag:s3] =	ssyncadd.s32 $0xFFFF8000  }
0x25b: {  	_ =	swait.ge [sflag:s3], $0x8000  }
0x25c: {  	[sflag:s3] =	ssyncset.done $0x0  }
0x25d: {  	[sflag:s3] =	ssyncadd.s32 $0xFFFF8000  }
0x25e: {  	_ =	swait.ge [sflag:s3], $0x8000  }
0x25f: {  	[sflag:s3] =	ssyncset.done $0x0  }
0x260: {  	[sflag:s3] =	ssyncadd.s32 $0xFFFF8000  }
0x261: {  	_ =	sfence.sel $0x180000  }
0x262: {  	[bflag:$0x0] =	sbarrier.arrive $0xFFFF  }
0x263: {  	_ =	strace $0x90000047  }
0x264: {  	s31 =	stileid.u32;
	[bflag:$0x2] =	sbarrier.arrive $0xFFFF  }
0x265: {  	p0 =	sne.s32 s31, $0x0;
	s0 =	rddreg [dreg:$0x2]  }
0x266: {  	s0 =	sadd.s32 @!p0 $0x100000, s0  }
0x267: {  	[sflag:s0] =	ssyncadd.tile.s32 @!p0 $0x1;
	_ =	shalt  }
.Lfunc_end2:
_tile_overlayer_lowered:
.L_overlay_start_2:
0x268: {  	(tag) =	ssettag $0x2  }
0x269: {  	s0 =	rddreg [dreg:$0x0];
	s2 =	stileid.u32  }
0x26a: {  	s1 =	rddreg [dreg:$0x1];
	p0 =	sne.s32 s2, $0x0  }
0x26b: {  	s3 =	rddreg [dreg:$0x2];
	[bflag:$0x3] =	sbarrier.arrive $0xFFFF;
	s2 =	simm.s32 @!p0 $0x1C07  }
0x26c: {  	[timem:s3], [sflag:s2] =	dma.local @!p0 [hbm:s0], s1  }
0x26d: {  	s0 =	simm.s32 @!p0 $0x7  }
0x26e: {  	_ =	swait.ge @!p0 [sflag:s0], s1  }
0x26f: {  	s1 =	ssub.s32 @!p0 $0x0, s1;
	[sflag:s0] =	ssyncset.done @!p0 $0x0  }
0x270: {  	[sflag:s0] =	ssyncadd.s32 @!p0 s1  }
0x271: {  	[bflag:$0x3] =	sbarrier.arrive $0xFFFF  }
0x272: {  	_ =	shalt  }

</sc_bundles>
